<compile_context>
chip_gen: v7x
topology: tpu7x:2x2x1
jax: 0.10.2.dev20260603
libtpu: 0.0.44.dev20260713+nightly
codegen_flags: <defaults>
</compile_context>

<pallas_src>
import functools

import jax
import jax.numpy as jnp
from jax import lax
from jax.experimental import pallas as pl
from jax.experimental.pallas import tpu as pltpu
from jax.experimental.pallas import tpu_sc as plsc

VOCAB = 100000
EMB = 128
B = 4096
L = 200

NC = 2
NS = 16
NW = NC * NS
BPW = B // NW
LANES = 16
NCHUNK = EMB // LANES
SPLITS = ((0, 104), (104, 96))


def _pool_body(src_hbm, table_hbm, out_hbm, idx_all, rows0, rows1,
               out_stage, sem0, sem1):
    wid = lax.axis_index("s") * NC + lax.axis_index("c")
    base = wid * BPW

    pltpu.sync_copy(src_hbm.at[pl.ds(base * L, BPW * L)], idx_all)

    rows = (rows0, rows1)
    sems = (sem0, sem1)

    def issue(i, buf):
        for off, n in SPLITS:
            pltpu.async_copy(
                table_hbm.at[idx_all.at[pl.ds(i * L + off, n)]],
                rows[buf].at[pl.ds(off, n)],
                sems[buf],
            )

    def drain(buf):
        pltpu.make_async_copy(
            table_hbm.at[pl.ds(0, L)], rows[buf], sems[buf]).wait()

    issue(0, 0)
    issue(1, 1)

    def step(i0, carry):
        for buf in range(2):
            i = i0 * 2 + buf
            drain(buf)

            def body(r, acc):
                row = rows[buf].at[r]
                return tuple(
                    acc[c] + row[pl.ds(c * LANES, LANES)]
                    for c in range(NCHUNK)
                )

            zeros = tuple(
                jnp.zeros((LANES,), jnp.float32) for _ in range(NCHUNK))
            acc = lax.fori_loop(0, L, body, zeros, unroll=4)
            for c in range(NCHUNK):
                out_stage[i, pl.ds(c * LANES, LANES)] = acc[c]

            @pl.when(i + 2 < BPW)
            def _():
                issue(i + 2, buf)
        return carry

    lax.fori_loop(0, BPW // 2, step, 0)

    pltpu.sync_copy(out_stage, out_hbm.at[pl.ds(base, BPW)])


def _sc_pool(src32, table):
    mesh = plsc.VectorSubcoreMesh(core_axis_name="c", subcore_axis_name="s")
    f = pl.kernel(
        _pool_body,
        out_type=jax.ShapeDtypeStruct((B, EMB), jnp.float32),
        mesh=mesh,
        scratch_types=[
            pltpu.VMEM((BPW * L,), jnp.int32),
            pltpu.VMEM((L, EMB), jnp.float32),
            pltpu.VMEM((L, EMB), jnp.float32),
            pltpu.VMEM((BPW, EMB), jnp.float32),
            pltpu.SemaphoreType.DMA,
            pltpu.SemaphoreType.DMA,
        ],
    )
    return f(src32, table)


def _ffn_body(x_ref, w_ref, b_ref, o_ref):
    x = x_ref[...] * (1.0 / L)
    o_ref[...] = lax.dot_general(
        x, w_ref[...], (((1,), (1,)), ((), ())),
        preferred_element_type=jnp.float32) + b_ref[...]


def _tc_ffn(sums, W, b):
    blk = 512
    grid = (B // blk,)
    return pl.pallas_call(
        _ffn_body,
        grid=grid,
        in_specs=[
            pl.BlockSpec((blk, EMB), lambda i: (i, 0)),
            pl.BlockSpec((EMB, EMB), lambda i: (0, 0)),
            pl.BlockSpec((1, EMB), lambda i: (0, 0)),
        ],
        out_specs=pl.BlockSpec((blk, EMB), lambda i: (i, 0)),
        out_shape=jax.ShapeDtypeStruct((B, EMB), jnp.float32),
    )(sums, W, b.reshape(1, EMB))


@jax.jit
def kernel(src, table, W, b):
    src32 = src.astype(jnp.int32).reshape(B * L)
    sums = _sc_pool(src32, table)
    hidden = _tc_ffn(sums, W, b)
    return hidden[None, :, :]

# --- scband reference (transcript-rebuilt; emitter-appended) ---
"""Pipeline reference for scband-encoder-ffn-15333033247413 (READ-ONLY COPY).

The authoritative reference and input builder live on the scoring server;
editing this copy changes nothing except your own understanding.
"""

import jax, jax.numpy as jnp
import numpy as np

VOCAB = 100000
EMB = 128
B = 4096
L = 200

def setup_inputs(seed: int = 0) -> dict:
    key = jax.random.key(seed)
    k_src, k_tab, k_w, k_b = jax.random.split(key, 4)
    src = jax.random.randint(k_src, (B, L), 0, VOCAB, dtype=jnp.int64)
    table = jax.random.normal(k_tab, (VOCAB, EMB), dtype=jnp.float32)
    # nn.Linear(emb_dim, emb_dim): weight [out, in], bias [out]
    bound = 1.0 / np.sqrt(EMB)
    W = jax.random.uniform(k_w, (EMB, EMB), dtype=jnp.float32, minval=-bound, maxval=bound)
    b = jax.random.uniform(k_b, (EMB,), dtype=jnp.float32, minval=-bound, maxval=bound)
    return {"src": src, "table": table, "W": W, "b": b}

def reference(src, table, W, b):
    # embedding lookup: gather rows
    embedded = jnp.take(table, src, axis=0)          # [B, L, EMB]
    pooled = embedded.mean(axis=1)                   # [B, EMB]
    hidden = pooled @ W.T + b                        # [B, EMB]
    return hidden[None, :, :]                        # [1, B, EMB]

if __name__ == "__main__":
    import jax
    _d = setup_inputs()
    print(jax.jit(kernel)(*tuple(_d.values())))

</pallas_src>

<mosaic_0001>
#map = affine_map<(d0, d1) -> (0)>
#map1 = affine_map<(d0, d1) -> (0, 0)>
module attributes {stable_mosaic.version = 14 : i64} {
  func.func @_pool_body(%arg0: i32, %arg1: i32, %arg2: memref<819200xi32, #tpu.memory_space<hbm>>, %arg3: memref<100000x128xf32, #tpu.memory_space<hbm>>, %arg4: memref<4096x128xf32, #tpu.memory_space<hbm>>, %arg5: memref<25600xi32, #tpu.memory_space<vmem>>, %arg6: memref<200x128xf32, #tpu.memory_space<vmem>>, %arg7: memref<200x128xf32, #tpu.memory_space<vmem>>, %arg8: memref<128x128xf32, #tpu.memory_space<vmem>>, %arg9: memref<!tpu.dma_semaphore, #tpu.memory_space<semaphore_mem>>, %arg10: memref<!tpu.dma_semaphore, #tpu.memory_space<semaphore_mem>>) attributes {dimension_semantics = [#tpu.dimension_semantics<core_parallel>, #tpu.dimension_semantics<subcore_parallel>], iteration_bounds = array<i64: 2, 16>, scalar_prefetch = 0 : i64, scratch_operands = 6 : i64, tpu.core_type = #tpu.core_type<sc_vector_subcore>, window_params = [{transform_indices = #map}, {transform_indices = #map1}, {transform_indices = #map1}]} {
    %mul3A = arith.constant 2 : i32
    %mul3A_0 = arith.muli %arg1, %mul3A : i32
    %add3A = arith.addi %mul3A_0, %arg0 : i32
    %mul3A_1 = arith.constant 128 : i32
    %mul3A_2 = arith.muli %add3A, %mul3A_1 : i32
    %mul3A_3 = arith.constant 200 : i32
    %mul3A_4 = arith.muli %mul3A_2, %mul3A_3 : i32
    "tpu.region"() ({
      %run_scoped3A = tpu.sem_alloc : memref<!tpu.dma_semaphore, #tpu.memory_space<semaphore_mem>>
      %dma_start3A_41 = tpu.memref_slice %arg2[%mul3A_4] : memref<819200xi32, #tpu.memory_space<hbm>> -> memref<25600xi32, #tpu.memory_space<hbm>>
      %dma_start3A_42 = tpu.memref_slice %arg2[%mul3A_4] : memref<819200xi32, #tpu.memory_space<hbm>> -> memref<25600xi32, #tpu.memory_space<hbm>>
      tpu.enqueue_dma source(%dma_start3A_42 : memref<25600xi32, #tpu.memory_space<hbm>>) target(%arg5 : memref<25600xi32, #tpu.memory_space<vmem>>) target_semaphore(%run_scoped3A : memref<!tpu.dma_semaphore, #tpu.memory_space<semaphore_mem>>)
      %dma_wait3A = tpu.memref_slice %arg2[%mul3A_4] : memref<819200xi32, #tpu.memory_space<hbm>> -> memref<25600xi32, #tpu.memory_space<hbm>>
      %dma_wait3A_43 = tpu.memref_slice %arg2[%mul3A_4] : memref<819200xi32, #tpu.memory_space<hbm>> -> memref<25600xi32, #tpu.memory_space<hbm>>
      tpu.wait_dma2 semaphore(%run_scoped3A : memref<!tpu.dma_semaphore, #tpu.memory_space<semaphore_mem>>) src(%dma_wait3A_43 : memref<25600xi32, #tpu.memory_space<hbm>>) dst(%arg5 : memref<25600xi32, #tpu.memory_space<vmem>>)
      tpu.yield
    }) : () -> ()
    %dma_start3A = arith.constant 0 : i32
    %dma_start3A_5 = arith.constant 0 : i32
    %dma_start3A_6 = tpu.memref_slice %arg6[%dma_start3A, %dma_start3A_5] : memref<200x128xf32, #tpu.memory_space<vmem>> -> memref<104x128xf32, #tpu.memory_space<vmem>>
    %dma_start3A_7 = arith.constant 0 : i32
    %dma_start3A_8 = tpu.memref_slice %arg5[%dma_start3A_7] : memref<25600xi32, #tpu.memory_space<vmem>> -> memref<104xi32, #tpu.memory_space<vmem>>
    %dma_start3A_9 = arith.constant 0 : i32
    %dma_start3A_10 = arith.constant 0 : i32
    %dma_start3A_11 = tpu.memref_slice %arg3[%dma_start3A_9, %dma_start3A_10] : memref<100000x128xf32, #tpu.memory_space<hbm>> -> memref<100000x128xf32, #tpu.memory_space<hbm>>
    tpu.enqueue_indirect_dma source(%dma_start3A_11 : memref<100000x128xf32, #tpu.memory_space<hbm>>) target(%dma_start3A_6 : memref<104x128xf32, #tpu.memory_space<vmem>>) offsets(%dma_start3A_8 : memref<104xi32, #tpu.memory_space<vmem>>) semaphore(%arg9 : memref<!tpu.dma_semaphore, #tpu.memory_space<semaphore_mem>>)
    %dma_start3A_12 = arith.constant 104 : i32
    %dma_start3A_13 = arith.constant 0 : i32
    %dma_start3A_14 = tpu.memref_slice %arg6[%dma_start3A_12, %dma_start3A_13] : memref<200x128xf32, #tpu.memory_space<vmem>> -> memref<96x128xf32, #tpu.memory_space<vmem>>
    %dma_start3A_15 = arith.constant 104 : i32
    %dma_start3A_16 = tpu.memref_slice %arg5[%dma_start3A_15] : memref<25600xi32, #tpu.memory_space<vmem>> -> memref<96xi32, #tpu.memory_space<vmem>>
    %dma_start3A_17 = arith.constant 0 : i32
    %dma_start3A_18 = arith.constant 0 : i32
    %dma_start3A_19 = tpu.memref_slice %arg3[%dma_start3A_17, %dma_start3A_18] : memref<100000x128xf32, #tpu.memory_space<hbm>> -> memref<100000x128xf32, #tpu.memory_space<hbm>>
    tpu.enqueue_indirect_dma source(%dma_start3A_19 : memref<100000x128xf32, #tpu.memory_space<hbm>>) target(%dma_start3A_14 : memref<96x128xf32, #tpu.memory_space<vmem>>) offsets(%dma_start3A_16 : memref<96xi32, #tpu.memory_space<vmem>>) semaphore(%arg9 : memref<!tpu.dma_semaphore, #tpu.memory_space<semaphore_mem>>)
    %dma_start3A_20 = arith.constant 0 : i32
    %dma_start3A_21 = arith.constant 0 : i32
    %dma_start3A_22 = tpu.memref_slice %arg7[%dma_start3A_20, %dma_start3A_21] : memref<200x128xf32, #tpu.memory_space<vmem>> -> memref<104x128xf32, #tpu.memory_space<vmem>>
    %dma_start3A_23 = arith.constant 200 : i32
    %dma_start3A_24 = tpu.memref_slice %arg5[%dma_start3A_23] : memref<25600xi32, #tpu.memory_space<vmem>> -> memref<104xi32, #tpu.memory_space<vmem>>
    %dma_start3A_25 = arith.constant 0 : i32
    %dma_start3A_26 = arith.constant 0 : i32
    %dma_start3A_27 = tpu.memref_slice %arg3[%dma_start3A_25, %dma_start3A_26] : memref<100000x128xf32, #tpu.memory_space<hbm>> -> memref<100000x128xf32, #tpu.memory_space<hbm>>
    tpu.enqueue_indirect_dma source(%dma_start3A_27 : memref<100000x128xf32, #tpu.memory_space<hbm>>) target(%dma_start3A_22 : memref<104x128xf32, #tpu.memory_space<vmem>>) offsets(%dma_start3A_24 : memref<104xi32, #tpu.memory_space<vmem>>) semaphore(%arg10 : memref<!tpu.dma_semaphore, #tpu.memory_space<semaphore_mem>>)
    %dma_start3A_28 = arith.constant 104 : i32
    %dma_start3A_29 = arith.constant 0 : i32
    %dma_start3A_30 = tpu.memref_slice %arg7[%dma_start3A_28, %dma_start3A_29] : memref<200x128xf32, #tpu.memory_space<vmem>> -> memref<96x128xf32, #tpu.memory_space<vmem>>
    %dma_start3A_31 = arith.constant 304 : i32
    %dma_start3A_32 = tpu.memref_slice %arg5[%dma_start3A_31] : memref<25600xi32, #tpu.memory_space<vmem>> -> memref<96xi32, #tpu.memory_space<vmem>>
    %dma_start3A_33 = arith.constant 0 : i32
    %dma_start3A_34 = arith.constant 0 : i32
    %dma_start3A_35 = tpu.memref_slice %arg3[%dma_start3A_33, %dma_start3A_34] : memref<100000x128xf32, #tpu.memory_space<hbm>> -> memref<100000x128xf32, #tpu.memory_space<hbm>>
    tpu.enqueue_indirect_dma source(%dma_start3A_35 : memref<100000x128xf32, #tpu.memory_space<hbm>>) target(%dma_start3A_30 : memref<96x128xf32, #tpu.memory_space<vmem>>) offsets(%dma_start3A_32 : memref<96xi32, #tpu.memory_space<vmem>>) semaphore(%arg10 : memref<!tpu.dma_semaphore, #tpu.memory_space<semaphore_mem>>)
    %scan3A = arith.constant 0 : i32
    %scan3A_36 = arith.constant 0 : i32
    %scan3A_37 = arith.constant 64 : i32
    %scan3A_38 = arith.addi %scan3A_36, %scan3A_37 : i32
    %scan3A_39 = arith.constant 1 : i32
    scf.for %scan3A_41 = %scan3A_36 to %scan3A_38 step %scan3A_39  : i32 {
      %mul3A_42 = arith.constant 2 : i32
      %mul3A_43 = arith.muli %scan3A_41, %mul3A_42 : i32
      %add3A_44 = arith.constant 0 : i32
      %add3A_45 = arith.addi %mul3A_43, %add3A_44 : i32
      %dma_wait3A = arith.constant 0 : i32
      %dma_wait3A_46 = arith.constant 0 : i32
      %dma_wait3A_47 = tpu.memref_slice %arg3[%dma_wait3A, %dma_wait3A_46] : memref<100000x128xf32, #tpu.memory_space<hbm>> -> memref<200x128xf32, #tpu.memory_space<hbm>>
      %dma_wait3A_48 = arith.constant 0 : i32
      %dma_wait3A_49 = arith.constant 0 : i32
      %dma_wait3A_50 = tpu.memref_slice %arg3[%dma_wait3A_48, %dma_wait3A_49] : memref<100000x128xf32, #tpu.memory_space<hbm>> -> memref<200x128xf32, #tpu.memory_space<hbm>>
      tpu.wait_dma2 semaphore(%arg9 : memref<!tpu.dma_semaphore, #tpu.memory_space<semaphore_mem>>) src(%dma_wait3A_50 : memref<200x128xf32, #tpu.memory_space<hbm>>) dst(%arg6 : memref<200x128xf32, #tpu.memory_space<vmem>>)
      %broadcast_in_dim3A = arith.constant 0.000000e+00 : f32
      %broadcast_in_dim3A_51 = vector.broadcast %broadcast_in_dim3A : f32 to vector<16xf32>
      %broadcast_in_dim3A_52 = arith.constant 0.000000e+00 : f32
      %broadcast_in_dim3A_53 = vector.broadcast %broadcast_in_dim3A_52 : f32 to vector<16xf32>
      %broadcast_in_dim3A_54 = arith.constant 0.000000e+00 : f32
      %broadcast_in_dim3A_55 = vector.broadcast %broadcast_in_dim3A_54 : f32 to vector<16xf32>
      %broadcast_in_dim3A_56 = arith.constant 0.000000e+00 : f32
      %broadcast_in_dim3A_57 = vector.broadcast %broadcast_in_dim3A_56 : f32 to vector<16xf32>
      %broadcast_in_dim3A_58 = arith.constant 0.000000e+00 : f32
      %broadcast_in_dim3A_59 = vector.broadcast %broadcast_in_dim3A_58 : f32 to vector<16xf32>
      %broadcast_in_dim3A_60 = arith.constant 0.000000e+00 : f32
      %broadcast_in_dim3A_61 = vector.broadcast %broadcast_in_dim3A_60 : f32 to vector<16xf32>
      %broadcast_in_dim3A_62 = arith.constant 0.000000e+00 : f32
      %broadcast_in_dim3A_63 = vector.broadcast %broadcast_in_dim3A_62 : f32 to vector<16xf32>
      %broadcast_in_dim3A_64 = arith.constant 0.000000e+00 : f32
      %broadcast_in_dim3A_65 = vector.broadcast %broadcast_in_dim3A_64 : f32 to vector<16xf32>
      %scan3A_66 = arith.constant 0 : i32
      %scan3A_67 = arith.constant 200 : i32
      %scan3A_68 = arith.addi %scan3A_66, %scan3A_67 : i32
      %scan3A_69 = arith.constant 4 : i32
      %scan3A_70:8 = scf.for %scan3A_194 = %scan3A_66 to %scan3A_68 step %scan3A_69 iter_args(%scan3A_195 = %broadcast_in_dim3A_51, %scan3A_196 = %broadcast_in_dim3A_53, %scan3A_197 = %broadcast_in_dim3A_55, %scan3A_198 = %broadcast_in_dim3A_57, %scan3A_199 = %broadcast_in_dim3A_59, %scan3A_200 = %broadcast_in_dim3A_61, %scan3A_201 = %broadcast_in_dim3A_63, %scan3A_202 = %broadcast_in_dim3A_65) -> (vector<16xf32>, vector<16xf32>, vector<16xf32>, vector<16xf32>, vector<16xf32>, vector<16xf32>, vector<16xf32>, vector<16xf32>)  : i32 {
        %get3A = arith.constant 0 : i32
        %get3A_203 = tpu.memref_slice %arg6[%scan3A_194, %get3A] : memref<200x128xf32, #tpu.memory_space<vmem>> -> memref<1x128xf32, #tpu.memory_space<vmem>>
        %get3A_204 = tpu.memref_squeeze %get3A_203 : memref<1x128xf32, #tpu.memory_space<vmem>> -> memref<128xf32, #tpu.memory_space<vmem>>
        %get3A_205 = arith.constant 0 : index
        %get3A_206 = tpu.vector_load %get3A_204[%get3A_205] {strides = array<i32>} : memref<128xf32, #tpu.memory_space<vmem>>, vector<16xf32>,
        %get3A_207 = vector.shape_cast %get3A_206 : vector<16xf32> to vector<16xf32>
        %add3A_208 = arith.addf %scan3A_195, %get3A_207 : vector<16xf32>
        %get3A_209 = arith.constant 0 : i32
        %get3A_210 = tpu.memref_slice %arg6[%scan3A_194, %get3A_209] : memref<200x128xf32, #tpu.memory_space<vmem>> -> memref<1x128xf32, #tpu.memory_space<vmem>>
        %get3A_211 = tpu.memref_squeeze %get3A_210 : memref<1x128xf32, #tpu.memory_space<vmem>> -> memref<128xf32, #tpu.memory_space<vmem>>
        %get3A_212 = arith.constant 16 : index
        %get3A_213 = tpu.vector_load %get3A_211[%get3A_212] {strides = array<i32>} : memref<128xf32, #tpu.memory_space<vmem>>, vector<16xf32>,
        %get3A_214 = vector.shape_cast %get3A_213 : vector<16xf32> to vector<16xf32>
        %add3A_215 = arith.addf %scan3A_196, %get3A_214 : vector<16xf32>
        %get3A_216 = arith.constant 0 : i32
        %get3A_217 = tpu.memref_slice %arg6[%scan3A_194, %get3A_216] : memref<200x128xf32, #tpu.memory_space<vmem>> -> memref<1x128xf32, #tpu.memory_space<vmem>>
        %get3A_218 = tpu.memref_squeeze %get3A_217 : memref<1x128xf32, #tpu.memory_space<vmem>> -> memref<128xf32, #tpu.memory_space<vmem>>
        %get3A_219 = arith.constant 32 : index
        %get3A_220 = tpu.vector_load %get3A_218[%get3A_219] {strides = array<i32>} : memref<128xf32, #tpu.memory_space<vmem>>, vector<16xf32>,
        %get3A_221 = vector.shape_cast %get3A_220 : vector<16xf32> to vector<16xf32>
        %add3A_222 = arith.addf %scan3A_197, %get3A_221 : vector<16xf32>
        %get3A_223 = arith.constant 0 : i32
        %get3A_224 = tpu.memref_slice %arg6[%scan3A_194, %get3A_223] : memref<200x128xf32, #tpu.memory_space<vmem>> -> memref<1x128xf32, #tpu.memory_space<vmem>>
        %get3A_225 = tpu.memref_squeeze %get3A_224 : memref<1x128xf32, #tpu.memory_space<vmem>> -> memref<128xf32, #tpu.memory_space<vmem>>
        %get3A_226 = arith.constant 48 : index
        %get3A_227 = tpu.vector_load %get3A_225[%get3A_226] {strides = array<i32>} : memref<128xf32, #tpu.memory_space<vmem>>, vector<16xf32>,
        %get3A_228 = vector.shape_cast %get3A_227 : vector<16xf32> to vector<16xf32>
        %add3A_229 = arith.addf %scan3A_198, %get3A_228 : vector<16xf32>
        %get3A_230 = arith.constant 0 : i32
        %get3A_231 = tpu.memref_slice %arg6[%scan3A_194, %get3A_230] : memref<200x128xf32, #tpu.memory_space<vmem>> -> memref<1x128xf32, #tpu.memory_space<vmem>>
        %get3A_232 = tpu.memref_squeeze %get3A_231 : memref<1x128xf32, #tpu.memory_space<vmem>> -> memref<128xf32, #tpu.memory_space<vmem>>
        %get3A_233 = arith.constant 64 : index
        %get3A_234 = tpu.vector_load %get3A_232[%get3A_233] {strides = array<i32>} : memref<128xf32, #tpu.memory_space<vmem>>, vector<16xf32>,
        %get3A_235 = vector.shape_cast %get3A_234 : vector<16xf32> to vector<16xf32>
        %add3A_236 = arith.addf %scan3A_199, %get3A_235 : vector<16xf32>
        %get3A_237 = arith.constant 0 : i32
        %get3A_238 = tpu.memref_slice %arg6[%scan3A_194, %get3A_237] : memref<200x128xf32, #tpu.memory_space<vmem>> -> memref<1x128xf32, #tpu.memory_space<vmem>>
        %get3A_239 = tpu.memref_squeeze %get3A_238 : memref<1x128xf32, #tpu.memory_space<vmem>> -> memref<128xf32, #tpu.memory_space<vmem>>
        %get3A_240 = arith.constant 80 : index
        %get3A_241 = tpu.vector_load %get3A_239[%get3A_240] {strides = array<i32>} : memref<128xf32, #tpu.memory_space<vmem>>, vector<16xf32>,
        %get3A_242 = vector.shape_cast %get3A_241 : vector<16xf32> to vector<16xf32>
        %add3A_243 = arith.addf %scan3A_200, %get3A_242 : vector<16xf32>
        %get3A_244 = arith.constant 0 : i32
        %get3A_245 = tpu.memref_slice %arg6[%scan3A_194, %get3A_244] : memref<200x128xf32, #tpu.memory_space<vmem>> -> memref<1x128xf32, #tpu.memory_space<vmem>>
        %get3A_246 = tpu.memref_squeeze %get3A_245 : memref<1x128xf32, #tpu.memory_space<vmem>> -> memref<128xf32, #tpu.memory_space<vmem>>
        %get3A_247 = arith.constant 96 : index
        %get3A_248 = tpu.vector_load %get3A_246[%get3A_247] {strides = array<i32>} : memref<128xf32, #tpu.memory_space<vmem>>, vector<16xf32>,
        %get3A_249 = vector.shape_cast %get3A_248 : vector<16xf32> to vector<16xf32>
        %add3A_250 = arith.addf %scan3A_201, %get3A_249 : vector<16xf32>
        %get3A_251 = arith.constant 0 : i32
        %get3A_252 = tpu.memref_slice %arg6[%scan3A_194, %get3A_251] : memref<200x128xf32, #tpu.memory_space<vmem>> -> memref<1x128xf32, #tpu.memory_space<vmem>>
        %get3A_253 = tpu.memref_squeeze %get3A_252 : memref<1x128xf32, #tpu.memory_space<vmem>> -> memref<128xf32, #tpu.memory_space<vmem>>
        %get3A_254 = arith.constant 112 : index
        %get3A_255 = tpu.vector_load %get3A_253[%get3A_254] {strides = array<i32>} : memref<128xf32, #tpu.memory_space<vmem>>, vector<16xf32>,
        %get3A_256 = vector.shape_cast %get3A_255 : vector<16xf32> to vector<16xf32>
        %add3A_257 = arith.addf %scan3A_202, %get3A_256 : vector<16xf32>
        %scan3A_258 = arith.constant 1 : i32
        %scan3A_259 = arith.addi %scan3A_194, %scan3A_258 : i32
        %get3A_260 = arith.constant 0 : i32
        %get3A_261 = tpu.memref_slice %arg6[%scan3A_259, %get3A_260] : memref<200x128xf32, #tpu.memory_space<vmem>> -> memref<1x128xf32, #tpu.memory_space<vmem>>
        %get3A_262 = tpu.memref_squeeze %get3A_261 : memref<1x128xf32, #tpu.memory_space<vmem>> -> memref<128xf32, #tpu.memory_space<vmem>>
        %get3A_263 = arith.constant 0 : index
        %get3A_264 = tpu.vector_load %get3A_262[%get3A_263] {strides = array<i32>} : memref<128xf32, #tpu.memory_space<vmem>>, vector<16xf32>,
        %get3A_265 = vector.shape_cast %get3A_264 : vector<16xf32> to vector<16xf32>
        %add3A_266 = arith.addf %add3A_208, %get3A_265 : vector<16xf32>
        %get3A_267 = arith.constant 0 : i32
        %get3A_268 = tpu.memref_slice %arg6[%scan3A_259, %get3A_267] : memref<200x128xf32, #tpu.memory_space<vmem>> -> memref<1x128xf32, #tpu.memory_space<vmem>>
        %get3A_269 = tpu.memref_squeeze %get3A_268 : memref<1x128xf32, #tpu.memory_space<vmem>> -> memref<128xf32, #tpu.memory_space<vmem>>
        %get3A_270 = arith.constant 16 : index
        %get3A_271 = tpu.vector_load %get3A_269[%get3A_270] {strides = array<i32>} : memref<128xf32, #tpu.memory_space<vmem>>, vector<16xf32>,
        %get3A_272 = vector.shape_cast %get3A_271 : vector<16xf32> to vector<16xf32>
        %add3A_273 = arith.addf %add3A_215, %get3A_272 : vector<16xf32>
        %get3A_274 = arith.constant 0 : i32
        %get3A_275 = tpu.memref_slice %arg6[%scan3A_259, %get3A_274] : memref<200x128xf32, #tpu.memory_space<vmem>> -> memref<1x128xf32, #tpu.memory_space<vmem>>
        %get3A_276 = tpu.memref_squeeze %get3A_275 : memref<1x128xf32, #tpu.memory_space<vmem>> -> memref<128xf32, #tpu.memory_space<vmem>>
        %get3A_277 = arith.constant 32 : index
        %get3A_278 = tpu.vector_load %get3A_276[%get3A_277] {strides = array<i32>} : memref<128xf32, #tpu.memory_space<vmem>>, vector<16xf32>,
        %get3A_279 = vector.shape_cast %get3A_278 : vector<16xf32> to vector<16xf32>
        %add3A_280 = arith.addf %add3A_222, %get3A_279 : vector<16xf32>
        %get3A_281 = arith.constant 0 : i32
        %get3A_282 = tpu.memref_slice %arg6[%scan3A_259, %get3A_281] : memref<200x128xf32, #tpu.memory_space<vmem>> -> memref<1x128xf32, #tpu.memory_space<vmem>>
        %get3A_283 = tpu.memref_squeeze %get3A_282 : memref<1x128xf32, #tpu.memory_space<vmem>> -> memref<128xf32, #tpu.memory_space<vmem>>
        %get3A_284 = arith.constant 48 : index
        %get3A_285 = tpu.vector_load %get3A_283[%get3A_284] {strides = array<i32>} : memref<128xf32, #tpu.memory_space<vmem>>, vector<16xf32>,
        %get3A_286 = vector.shape_cast %get3A_285 : vector<16xf32> to vector<16xf32>
        %add3A_287 = arith.addf %add3A_229, %get3A_286 : vector<16xf32>
        %get3A_288 = arith.constant 0 : i32
        %get3A_289 = tpu.memref_slice %arg6[%scan3A_259, %get3A_288] : memref<200x128xf32, #tpu.memory_space<vmem>> -> memref<1x128xf32, #tpu.memory_space<vmem>>
        %get3A_290 = tpu.memref_squeeze %get3A_289 : memref<1x128xf32, #tpu.memory_space<vmem>> -> memref<128xf32, #tpu.memory_space<vmem>>
        %get3A_291 = arith.constant 64 : index
        %get3A_292 = tpu.vector_load %get3A_290[%get3A_291] {strides = array<i32>} : memref<128xf32, #tpu.memory_space<vmem>>, vector<16xf32>,
        %get3A_293 = vector.shape_cast %get3A_292 : vector<16xf32> to vector<16xf32>
        %add3A_294 = arith.addf %add3A_236, %get3A_293 : vector<16xf32>
        %get3A_295 = arith.constant 0 : i32
        %get3A_296 = tpu.memref_slice %arg6[%scan3A_259, %get3A_295] : memref<200x128xf32, #tpu.memory_space<vmem>> -> memref<1x128xf32, #tpu.memory_space<vmem>>
        %get3A_297 = tpu.memref_squeeze %get3A_296 : memref<1x128xf32, #tpu.memory_space<vmem>> -> memref<128xf32, #tpu.memory_space<vmem>>
        %get3A_298 = arith.constant 80 : index
        %get3A_299 = tpu.vector_load %get3A_297[%get3A_298] {strides = array<i32>} : memref<128xf32, #tpu.memory_space<vmem>>, vector<16xf32>,
        %get3A_300 = vector.shape_cast %get3A_299 : vector<16xf32> to vector<16xf32>
        %add3A_301 = arith.addf %add3A_243, %get3A_300 : vector<16xf32>
        %get3A_302 = arith.constant 0 : i32
        %get3A_303 = tpu.memref_slice %arg6[%scan3A_259, %get3A_302] : memref<200x128xf32, #tpu.memory_space<vmem>> -> memref<1x128xf32, #tpu.memory_space<vmem>>
        %get3A_304 = tpu.memref_squeeze %get3A_303 : memref<1x128xf32, #tpu.memory_space<vmem>> -> memref<128xf32, #tpu.memory_space<vmem>>
        %get3A_305 = arith.constant 96 : index
        %get3A_306 = tpu.vector_load %get3A_304[%get3A_305] {strides = array<i32>} : memref<128xf32, #tpu.memory_space<vmem>>, vector<16xf32>,
        %get3A_307 = vector.shape_cast %get3A_306 : vector<16xf32> to vector<16xf32>
        %add3A_308 = arith.addf %add3A_250, %get3A_307 : vector<16xf32>
        %get3A_309 = arith.constant 0 : i32
        %get3A_310 = tpu.memref_slice %arg6[%scan3A_259, %get3A_309] : memref<200x128xf32, #tpu.memory_space<vmem>> -> memref<1x128xf32, #tpu.memory_space<vmem>>
        %get3A_311 = tpu.memref_squeeze %get3A_310 : memref<1x128xf32, #tpu.memory_space<vmem>> -> memref<128xf32, #tpu.memory_space<vmem>>
        %get3A_312 = arith.constant 112 : index
        %get3A_313 = tpu.vector_load %get3A_311[%get3A_312] {strides = array<i32>} : memref<128xf32, #tpu.memory_space<vmem>>, vector<16xf32>,
        %get3A_314 = vector.shape_cast %get3A_313 : vector<16xf32> to vector<16xf32>
        %add3A_315 = arith.addf %add3A_257, %get3A_314 : vector<16xf32>
        %scan3A_316 = arith.constant 2 : i32
        %scan3A_317 = arith.addi %scan3A_194, %scan3A_316 : i32
        %get3A_318 = arith.constant 0 : i32
        %get3A_319 = tpu.memref_slice %arg6[%scan3A_317, %get3A_318] : memref<200x128xf32, #tpu.memory_space<vmem>> -> memref<1x128xf32, #tpu.memory_space<vmem>>
        %get3A_320 = tpu.memref_squeeze %get3A_319 : memref<1x128xf32, #tpu.memory_space<vmem>> -> memref<128xf32, #tpu.memory_space<vmem>>
        %get3A_321 = arith.constant 0 : index
        %get3A_322 = tpu.vector_load %get3A_320[%get3A_321] {strides = array<i32>} : memref<128xf32, #tpu.memory_space<vmem>>, vector<16xf32>,
        %get3A_323 = vector.shape_cast %get3A_322 : vector<16xf32> to vector<16xf32>
        %add3A_324 = arith.addf %add3A_266, %get3A_323 : vector<16xf32>
        %get3A_325 = arith.constant 0 : i32
        %get3A_326 = tpu.memref_slice %arg6[%scan3A_317, %get3A_325] : memref<200x128xf32, #tpu.memory_space<vmem>> -> memref<1x128xf32, #tpu.memory_space<vmem>>
        %get3A_327 = tpu.memref_squeeze %get3A_326 : memref<1x128xf32, #tpu.memory_space<vmem>> -> memref<128xf32, #tpu.memory_space<vmem>>
        %get3A_328 = arith.constant 16 : index
        %get3A_329 = tpu.vector_load %get3A_327[%get3A_328] {strides = array<i32>} : memref<128xf32, #tpu.memory_space<vmem>>, vector<16xf32>,
        %get3A_330 = vector.shape_cast %get3A_329 : vector<16xf32> to vector<16xf32>
        %add3A_331 = arith.addf %add3A_273, %get3A_330 : vector<16xf32>
        %get3A_332 = arith.constant 0 : i32
        %get3A_333 = tpu.memref_slice %arg6[%scan3A_317, %get3A_332] : memref<200x128xf32, #tpu.memory_space<vmem>> -> memref<1x128xf32, #tpu.memory_space<vmem>>
        %get3A_334 = tpu.memref_squeeze %get3A_333 : memref<1x128xf32, #tpu.memory_space<vmem>> -> memref<128xf32, #tpu.memory_space<vmem>>
        %get3A_335 = arith.constant 32 : index
        %get3A_336 = tpu.vector_load %get3A_334[%get3A_335] {strides = array<i32>} : memref<128xf32, #tpu.memory_space<vmem>>, vector<16xf32>,
        %get3A_337 = vector.shape_cast %get3A_336 : vector<16xf32> to vector<16xf32>
        %add3A_338 = arith.addf %add3A_280, %get3A_337 : vector<16xf32>
        %get3A_339 = arith.constant 0 : i32
        %get3A_340 = tpu.memref_slice %arg6[%scan3A_317, %get3A_339] : memref<200x128xf32, #tpu.memory_space<vmem>> -> memref<1x128xf32, #tpu.memory_space<vmem>>
        %get3A_341 = tpu.memref_squeeze %get3A_340 : memref<1x128xf32, #tpu.memory_space<vmem>> -> memref<128xf32, #tpu.memory_space<vmem>>
        %get3A_342 = arith.constant 48 : index
        %get3A_343 = tpu.vector_load %get3A_341[%get3A_342] {strides = array<i32>} : memref<128xf32, #tpu.memory_space<vmem>>, vector<16xf32>,
        %get3A_344 = vector.shape_cast %get3A_343 : vector<16xf32> to vector<16xf32>
        %add3A_345 = arith.addf %add3A_287, %get3A_344 : vector<16xf32>
        %get3A_346 = arith.constant 0 : i32
        %get3A_347 = tpu.memref_slice %arg6[%scan3A_317, %get3A_346] : memref<200x128xf32, #tpu.memory_space<vmem>> -> memref<1x128xf32, #tpu.memory_space<vmem>>
        %get3A_348 = tpu.memref_squeeze %get3A_347 : memref<1x128xf32, #tpu.memory_space<vmem>> -> memref<128xf32, #tpu.memory_space<vmem>>
        %get3A_349 = arith.constant 64 : index
        %get3A_350 = tpu.vector_load %get3A_348[%get3A_349] {strides = array<i32>} : memref<128xf32, #tpu.memory_space<vmem>>, vector<16xf32>,
        %get3A_351 = vector.shape_cast %get3A_350 : vector<16xf32> to vector<16xf32>
        %add3A_352 = arith.addf %add3A_294, %get3A_351 : vector<16xf32>
        %get3A_353 = arith.constant 0 : i32
        %get3A_354 = tpu.memref_slice %arg6[%scan3A_317, %get3A_353] : memref<200x128xf32, #tpu.memory_space<vmem>> -> memref<1x128xf32, #tpu.memory_space<vmem>>
        %get3A_355 = tpu.memref_squeeze %get3A_354 : memref<1x128xf32, #tpu.memory_space<vmem>> -> memref<128xf32, #tpu.memory_space<vmem>>
        %get3A_356 = arith.constant 80 : index
        %get3A_357 = tpu.vector_load %get3A_355[%get3A_356] {strides = array<i32>} : memref<128xf32, #tpu.memory_space<vmem>>, vector<16xf32>,
        %get3A_358 = vector.shape_cast %get3A_357 : vector<16xf32> to vector<16xf32>
        %add3A_359 = arith.addf %add3A_301, %get3A_358 : vector<16xf32>
        %get3A_360 = arith.constant 0 : i32
        %get3A_361 = tpu.memref_slice %arg6[%scan3A_317, %get3A_360] : memref<200x128xf32, #tpu.memory_space<vmem>> -> memref<1x128xf32, #tpu.memory_space<vmem>>
        %get3A_362 = tpu.memref_squeeze %get3A_361 : memref<1x128xf32, #tpu.memory_space<vmem>> -> memref<128xf32, #tpu.memory_space<vmem>>
        %get3A_363 = arith.constant 96 : index
        %get3A_364 = tpu.vector_load %get3A_362[%get3A_363] {strides = array<i32>} : memref<128xf32, #tpu.memory_space<vmem>>, vector<16xf32>,
        %get3A_365 = vector.shape_cast %get3A_364 : vector<16xf32> to vector<16xf32>
        %add3A_366 = arith.addf %add3A_308, %get3A_365 : vector<16xf32>
        %get3A_367 = arith.constant 0 : i32
        %get3A_368 = tpu.memref_slice %arg6[%scan3A_317, %get3A_367] : memref<200x128xf32, #tpu.memory_space<vmem>> -> memref<1x128xf32, #tpu.memory_space<vmem>>
        %get3A_369 = tpu.memref_squeeze %get3A_368 : memref<1x128xf32, #tpu.memory_space<vmem>> -> memref<128xf32, #tpu.memory_space<vmem>>
        %get3A_370 = arith.constant 112 : index
        %get3A_371 = tpu.vector_load %get3A_369[%get3A_370] {strides = array<i32>} : memref<128xf32, #tpu.memory_space<vmem>>, vector<16xf32>,
        %get3A_372 = vector.shape_cast %get3A_371 : vector<16xf32> to vector<16xf32>
        %add3A_373 = arith.addf %add3A_315, %get3A_372 : vector<16xf32>
        %scan3A_374 = arith.constant 3 : i32
        %scan3A_375 = arith.addi %scan3A_194, %scan3A_374 : i32
        %get3A_376 = arith.constant 0 : i32
        %get3A_377 = tpu.memref_slice %arg6[%scan3A_375, %get3A_376] : memref<200x128xf32, #tpu.memory_space<vmem>> -> memref<1x128xf32, #tpu.memory_space<vmem>>
        %get3A_378 = tpu.memref_squeeze %get3A_377 : memref<1x128xf32, #tpu.memory_space<vmem>> -> memref<128xf32, #tpu.memory_space<vmem>>
        %get3A_379 = arith.constant 0 : index
        %get3A_380 = tpu.vector_load %get3A_378[%get3A_379] {strides = array<i32>} : memref<128xf32, #tpu.memory_space<vmem>>, vector<16xf32>,
        %get3A_381 = vector.shape_cast %get3A_380 : vector<16xf32> to vector<16xf32>
        %add3A_382 = arith.addf %add3A_324, %get3A_381 : vector<16xf32>
        %get3A_383 = arith.constant 0 : i32
        %get3A_384 = tpu.memref_slice %arg6[%scan3A_375, %get3A_383] : memref<200x128xf32, #tpu.memory_space<vmem>> -> memref<1x128xf32, #tpu.memory_space<vmem>>
        %get3A_385 = tpu.memref_squeeze %get3A_384 : memref<1x128xf32, #tpu.memory_space<vmem>> -> memref<128xf32, #tpu.memory_space<vmem>>
        %get3A_386 = arith.constant 16 : index
        %get3A_387 = tpu.vector_load %get3A_385[%get3A_386] {strides = array<i32>} : memref<128xf32, #tpu.memory_space<vmem>>, vector<16xf32>,
        %get3A_388 = vector.shape_cast %get3A_387 : vector<16xf32> to vector<16xf32>
        %add3A_389 = arith.addf %add3A_331, %get3A_388 : vector<16xf32>
        %get3A_390 = arith.constant 0 : i32
        %get3A_391 = tpu.memref_slice %arg6[%scan3A_375, %get3A_390] : memref<200x128xf32, #tpu.memory_space<vmem>> -> memref<1x128xf32, #tpu.memory_space<vmem>>
        %get3A_392 = tpu.memref_squeeze %get3A_391 : memref<1x128xf32, #tpu.memory_space<vmem>> -> memref<128xf32, #tpu.memory_space<vmem>>
        %get3A_393 = arith.constant 32 : index
        %get3A_394 = tpu.vector_load %get3A_392[%get3A_393] {strides = array<i32>} : memref<128xf32, #tpu.memory_space<vmem>>, vector<16xf32>,
        %get3A_395 = vector.shape_cast %get3A_394 : vector<16xf32> to vector<16xf32>
        %add3A_396 = arith.addf %add3A_338, %get3A_395 : vector<16xf32>
        %get3A_397 = arith.constant 0 : i32
        %get3A_398 = tpu.memref_slice %arg6[%scan3A_375, %get3A_397] : memref<200x128xf32, #tpu.memory_space<vmem>> -> memref<1x128xf32, #tpu.memory_space<vmem>>
        %get3A_399 = tpu.memref_squeeze %get3A_398 : memref<1x128xf32, #tpu.memory_space<vmem>> -> memref<128xf32, #tpu.memory_space<vmem>>
        %get3A_400 = arith.constant 48 : index
        %get3A_401 = tpu.vector_load %get3A_399[%get3A_400] {strides = array<i32>} : memref<128xf32, #tpu.memory_space<vmem>>, vector<16xf32>,
        %get3A_402 = vector.shape_cast %get3A_401 : vector<16xf32> to vector<16xf32>
        %add3A_403 = arith.addf %add3A_345, %get3A_402 : vector<16xf32>
        %get3A_404 = arith.constant 0 : i32
        %get3A_405 = tpu.memref_slice %arg6[%scan3A_375, %get3A_404] : memref<200x128xf32, #tpu.memory_space<vmem>> -> memref<1x128xf32, #tpu.memory_space<vmem>>
        %get3A_406 = tpu.memref_squeeze %get3A_405 : memref<1x128xf32, #tpu.memory_space<vmem>> -> memref<128xf32, #tpu.memory_space<vmem>>
        %get3A_407 = arith.constant 64 : index
        %get3A_408 = tpu.vector_load %get3A_406[%get3A_407] {strides = array<i32>} : memref<128xf32, #tpu.memory_space<vmem>>, vector<16xf32>,
        %get3A_409 = vector.shape_cast %get3A_408 : vector<16xf32> to vector<16xf32>
        %add3A_410 = arith.addf %add3A_352, %get3A_409 : vector<16xf32>
        %get3A_411 = arith.constant 0 : i32
        %get3A_412 = tpu.memref_slice %arg6[%scan3A_375, %get3A_411] : memref<200x128xf32, #tpu.memory_space<vmem>> -> memref<1x128xf32, #tpu.memory_space<vmem>>
        %get3A_413 = tpu.memref_squeeze %get3A_412 : memref<1x128xf32, #tpu.memory_space<vmem>> -> memref<128xf32, #tpu.memory_space<vmem>>
        %get3A_414 = arith.constant 80 : index
        %get3A_415 = tpu.vector_load %get3A_413[%get3A_414] {strides = array<i32>} : memref<128xf32, #tpu.memory_space<vmem>>, vector<16xf32>,
        %get3A_416 = vector.shape_cast %get3A_415 : vector<16xf32> to vector<16xf32>
        %add3A_417 = arith.addf %add3A_359, %get3A_416 : vector<16xf32>
        %get3A_418 = arith.constant 0 : i32
        %get3A_419 = tpu.memref_slice %arg6[%scan3A_375, %get3A_418] : memref<200x128xf32, #tpu.memory_space<vmem>> -> memref<1x128xf32, #tpu.memory_space<vmem>>
        %get3A_420 = tpu.memref_squeeze %get3A_419 : memref<1x128xf32, #tpu.memory_space<vmem>> -> memref<128xf32, #tpu.memory_space<vmem>>
        %get3A_421 = arith.constant 96 : index
        %get3A_422 = tpu.vector_load %get3A_420[%get3A_421] {strides = array<i32>} : memref<128xf32, #tpu.memory_space<vmem>>, vector<16xf32>,
        %get3A_423 = vector.shape_cast %get3A_422 : vector<16xf32> to vector<16xf32>
        %add3A_424 = arith.addf %add3A_366, %get3A_423 : vector<16xf32>
        %get3A_425 = arith.constant 0 : i32
        %get3A_426 = tpu.memref_slice %arg6[%scan3A_375, %get3A_425] : memref<200x128xf32, #tpu.memory_space<vmem>> -> memref<1x128xf32, #tpu.memory_space<vmem>>
        %get3A_427 = tpu.memref_squeeze %get3A_426 : memref<1x128xf32, #tpu.memory_space<vmem>> -> memref<128xf32, #tpu.memory_space<vmem>>
        %get3A_428 = arith.constant 112 : index
        %get3A_429 = tpu.vector_load %get3A_427[%get3A_428] {strides = array<i32>} : memref<128xf32, #tpu.memory_space<vmem>>, vector<16xf32>,
        %get3A_430 = vector.shape_cast %get3A_429 : vector<16xf32> to vector<16xf32>
        %add3A_431 = arith.addf %add3A_373, %get3A_430 : vector<16xf32>
        scf.yield %add3A_382, %add3A_389, %add3A_396, %add3A_403, %add3A_410, %add3A_417, %add3A_424, %add3A_431 : vector<16xf32>, vector<16xf32>, vector<16xf32>, vector<16xf32>, vector<16xf32>, vector<16xf32>, vector<16xf32>, vector<16xf32>
      }
      %scan3A_71 = arith.constant 200 : i32
      %swap3A = arith.index_cast %add3A_45 : i32 to index
      %swap3A_72 = arith.constant 0 : index
      %swap3A_73 = tpu.vector_load %arg8[%swap3A, %swap3A_72] {strides = array<i32>} : memref<128x128xf32, #tpu.memory_space<vmem>>, vector<1x16xf32>,
      %swap3A_74 = vector.shape_cast %swap3A_73 : vector<1x16xf32> to vector<16xf32>
      %swap3A_75 = vector.shape_cast %scan3A_70#0 : vector<16xf32> to vector<1x16xf32>
      tpu.vector_store %arg8[%swap3A, %swap3A_72], %swap3A_75 {strides = array<i32>} : memref<128x128xf32, #tpu.memory_space<vmem>>, vector<1x16xf32>,
      %swap3A_76 = arith.index_cast %add3A_45 : i32 to index
      %swap3A_77 = arith.constant 16 : index
      %swap3A_78 = tpu.vector_load %arg8[%swap3A_76, %swap3A_77] {strides = array<i32>} : memref<128x128xf32, #tpu.memory_space<vmem>>, vector<1x16xf32>,
      %swap3A_79 = vector.shape_cast %swap3A_78 : vector<1x16xf32> to vector<16xf32>
      %swap3A_80 = vector.shape_cast %scan3A_70#1 : vector<16xf32> to vector<1x16xf32>
      tpu.vector_store %arg8[%swap3A_76, %swap3A_77], %swap3A_80 {strides = array<i32>} : memref<128x128xf32, #tpu.memory_space<vmem>>, vector<1x16xf32>,
      %swap3A_81 = arith.index_cast %add3A_45 : i32 to index
      %swap3A_82 = arith.constant 32 : index
      %swap3A_83 = tpu.vector_load %arg8[%swap3A_81, %swap3A_82] {strides = array<i32>} : memref<128x128xf32, #tpu.memory_space<vmem>>, vector<1x16xf32>,
      %swap3A_84 = vector.shape_cast %swap3A_83 : vector<1x16xf32> to vector<16xf32>
      %swap3A_85 = vector.shape_cast %scan3A_70#2 : vector<16xf32> to vector<1x16xf32>
      tpu.vector_store %arg8[%swap3A_81, %swap3A_82], %swap3A_85 {strides = array<i32>} : memref<128x128xf32, #tpu.memory_space<vmem>>, vector<1x16xf32>,
      %swap3A_86 = arith.index_cast %add3A_45 : i32 to index
      %swap3A_87 = arith.constant 48 : index
      %swap3A_88 = tpu.vector_load %arg8[%swap3A_86, %swap3A_87] {strides = array<i32>} : memref<128x128xf32, #tpu.memory_space<vmem>>, vector<1x16xf32>,
      %swap3A_89 = vector.shape_cast %swap3A_88 : vector<1x16xf32> to vector<16xf32>
      %swap3A_90 = vector.shape_cast %scan3A_70#3 : vector<16xf32> to vector<1x16xf32>
      tpu.vector_store %arg8[%swap3A_86, %swap3A_87], %swap3A_90 {strides = array<i32>} : memref<128x128xf32, #tpu.memory_space<vmem>>, vector<1x16xf32>,
      %swap3A_91 = arith.index_cast %add3A_45 : i32 to index
      %swap3A_92 = arith.constant 64 : index
      %swap3A_93 = tpu.vector_load %arg8[%swap3A_91, %swap3A_92] {strides = array<i32>} : memref<128x128xf32, #tpu.memory_space<vmem>>, vector<1x16xf32>,
      %swap3A_94 = vector.shape_cast %swap3A_93 : vector<1x16xf32> to vector<16xf32>
      %swap3A_95 = vector.shape_cast %scan3A_70#4 : vector<16xf32> to vector<1x16xf32>
      tpu.vector_store %arg8[%swap3A_91, %swap3A_92], %swap3A_95 {strides = array<i32>} : memref<128x128xf32, #tpu.memory_space<vmem>>, vector<1x16xf32>,
      %swap3A_96 = arith.index_cast %add3A_45 : i32 to index
      %swap3A_97 = arith.constant 80 : index
      %swap3A_98 = tpu.vector_load %arg8[%swap3A_96, %swap3A_97] {strides = array<i32>} : memref<128x128xf32, #tpu.memory_space<vmem>>, vector<1x16xf32>,
      %swap3A_99 = vector.shape_cast %swap3A_98 : vector<1x16xf32> to vector<16xf32>
      %swap3A_100 = vector.shape_cast %scan3A_70#5 : vector<16xf32> to vector<1x16xf32>
      tpu.vector_store %arg8[%swap3A_96, %swap3A_97], %swap3A_100 {strides = array<i32>} : memref<128x128xf32, #tpu.memory_space<vmem>>, vector<1x16xf32>,
      %swap3A_101 = arith.index_cast %add3A_45 : i32 to index
      %swap3A_102 = arith.constant 96 : index
      %swap3A_103 = tpu.vector_load %arg8[%swap3A_101, %swap3A_102] {strides = array<i32>} : memref<128x128xf32, #tpu.memory_space<vmem>>, vector<1x16xf32>,
      %swap3A_104 = vector.shape_cast %swap3A_103 : vector<1x16xf32> to vector<16xf32>
      %swap3A_105 = vector.shape_cast %scan3A_70#6 : vector<16xf32> to vector<1x16xf32>
      tpu.vector_store %arg8[%swap3A_101, %swap3A_102], %swap3A_105 {strides = array<i32>} : memref<128x128xf32, #tpu.memory_space<vmem>>, vector<1x16xf32>,
      %swap3A_106 = arith.index_cast %add3A_45 : i32 to index
      %swap3A_107 = arith.constant 112 : index
      %swap3A_108 = tpu.vector_load %arg8[%swap3A_106, %swap3A_107] {strides = array<i32>} : memref<128x128xf32, #tpu.memory_space<vmem>>, vector<1x16xf32>,
      %swap3A_109 = vector.shape_cast %swap3A_108 : vector<1x16xf32> to vector<16xf32>
      %swap3A_110 = vector.shape_cast %scan3A_70#7 : vector<16xf32> to vector<1x16xf32>
      tpu.vector_store %arg8[%swap3A_106, %swap3A_107], %swap3A_110 {strides = array<i32>} : memref<128x128xf32, #tpu.memory_space<vmem>>, vector<1x16xf32>,
      %add3A_111 = arith.constant 2 : i32
      %add3A_112 = arith.addi %add3A_45, %add3A_111 : i32
      %lt3A = arith.constant 128 : i32
      %lt3A_113 = arith.cmpi slt, %add3A_112, %lt3A : i32
      %convert_element_type3A = arith.extui %lt3A_113 : i1 to i32
      %cond3A = arith.constant 0 : i32
      %cond3A_114 = arith.cmpi ne, %convert_element_type3A, %cond3A : i32
      scf.if %cond3A_114 {
        %add3A_194 = arith.constant 2 : i32
        %add3A_195 = arith.addi %add3A_45, %add3A_194 : i32
        %mul3A_196 = arith.constant 200 : i32
        %mul3A_197 = arith.muli %add3A_195, %mul3A_196 : i32
        %add3A_198 = arith.constant 0 : i32
        %add3A_199 = arith.addi %mul3A_197, %add3A_198 : i32
        %dma_start3A_200 = arith.constant 0 : i32
        %dma_start3A_201 = arith.constant 0 : i32
        %dma_start3A_202 = tpu.memref_slice %arg6[%dma_start3A_200, %dma_start3A_201] : memref<200x128xf32, #tpu.memory_space<vmem>> -> memref<104x128xf32, #tpu.memory_space<vmem>>
        %dma_start3A_203 = tpu.memref_slice %arg5[%add3A_199] : memref<25600xi32, #tpu.memory_space<vmem>> -> memref<104xi32, #tpu.memory_space<vmem>>
        %dma_start3A_204 = arith.constant 0 : i32
        %dma_start3A_205 = arith.constant 0 : i32
        %dma_start3A_206 = tpu.memref_slice %arg3[%dma_start3A_204, %dma_start3A_205] : memref<100000x128xf32, #tpu.memory_space<hbm>> -> memref<100000x128xf32, #tpu.memory_space<hbm>>
        tpu.enqueue_indirect_dma source(%dma_start3A_206 : memref<100000x128xf32, #tpu.memory_space<hbm>>) target(%dma_start3A_202 : memref<104x128xf32, #tpu.memory_space<vmem>>) offsets(%dma_start3A_203 : memref<104xi32, #tpu.memory_space<vmem>>) semaphore(%arg9 : memref<!tpu.dma_semaphore, #tpu.memory_space<semaphore_mem>>)
        %mul3A_207 = arith.constant 200 : i32
        %mul3A_208 = arith.muli %add3A_195, %mul3A_207 : i32
        %add3A_209 = arith.constant 104 : i32
        %add3A_210 = arith.addi %mul3A_208, %add3A_209 : i32
        %dma_start3A_211 = arith.constant 104 : i32
        %dma_start3A_212 = arith.constant 0 : i32
        %dma_start3A_213 = tpu.memref_slice %arg6[%dma_start3A_211, %dma_start3A_212] : memref<200x128xf32, #tpu.memory_space<vmem>> -> memref<96x128xf32, #tpu.memory_space<vmem>>
        %dma_start3A_214 = tpu.memref_slice %arg5[%add3A_210] : memref<25600xi32, #tpu.memory_space<vmem>> -> memref<96xi32, #tpu.memory_space<vmem>>
        %dma_start3A_215 = arith.constant 0 : i32
        %dma_start3A_216 = arith.constant 0 : i32
        %dma_start3A_217 = tpu.memref_slice %arg3[%dma_start3A_215, %dma_start3A_216] : memref<100000x128xf32, #tpu.memory_space<hbm>> -> memref<100000x128xf32, #tpu.memory_space<hbm>>
        tpu.enqueue_indirect_dma source(%dma_start3A_217 : memref<100000x128xf32, #tpu.memory_space<hbm>>) target(%dma_start3A_213 : memref<96x128xf32, #tpu.memory_space<vmem>>) offsets(%dma_start3A_214 : memref<96xi32, #tpu.memory_space<vmem>>) semaphore(%arg9 : memref<!tpu.dma_semaphore, #tpu.memory_space<semaphore_mem>>)
      } else {
      }
      %mul3A_115 = arith.constant 2 : i32
      %mul3A_116 = arith.muli %scan3A_41, %mul3A_115 : i32
      %add3A_117 = arith.constant 1 : i32
      %add3A_118 = arith.addi %mul3A_116, %add3A_117 : i32
      %dma_wait3A_119 = arith.constant 0 : i32
      %dma_wait3A_120 = arith.constant 0 : i32
      %dma_wait3A_121 = tpu.memref_slice %arg3[%dma_wait3A_119, %dma_wait3A_120] : memref<100000x128xf32, #tpu.memory_space<hbm>> -> memref<200x128xf32, #tpu.memory_space<hbm>>
      %dma_wait3A_122 = arith.constant 0 : i32
      %dma_wait3A_123 = arith.constant 0 : i32
      %dma_wait3A_124 = tpu.memref_slice %arg3[%dma_wait3A_122, %dma_wait3A_123] : memref<100000x128xf32, #tpu.memory_space<hbm>> -> memref<200x128xf32, #tpu.memory_space<hbm>>
      tpu.wait_dma2 semaphore(%arg10 : memref<!tpu.dma_semaphore, #tpu.memory_space<semaphore_mem>>) src(%dma_wait3A_124 : memref<200x128xf32, #tpu.memory_space<hbm>>) dst(%arg7 : memref<200x128xf32, #tpu.memory_space<vmem>>)
      %broadcast_in_dim3A_125 = arith.constant 0.000000e+00 : f32
      %broadcast_in_dim3A_126 = vector.broadcast %broadcast_in_dim3A_125 : f32 to vector<16xf32>
      %broadcast_in_dim3A_127 = arith.constant 0.000000e+00 : f32
      %broadcast_in_dim3A_128 = vector.broadcast %broadcast_in_dim3A_127 : f32 to vector<16xf32>
      %broadcast_in_dim3A_129 = arith.constant 0.000000e+00 : f32
      %broadcast_in_dim3A_130 = vector.broadcast %broadcast_in_dim3A_129 : f32 to vector<16xf32>
      %broadcast_in_dim3A_131 = arith.constant 0.000000e+00 : f32
      %broadcast_in_dim3A_132 = vector.broadcast %broadcast_in_dim3A_131 : f32 to vector<16xf32>
      %broadcast_in_dim3A_133 = arith.constant 0.000000e+00 : f32
      %broadcast_in_dim3A_134 = vector.broadcast %broadcast_in_dim3A_133 : f32 to vector<16xf32>
      %broadcast_in_dim3A_135 = arith.constant 0.000000e+00 : f32
      %broadcast_in_dim3A_136 = vector.broadcast %broadcast_in_dim3A_135 : f32 to vector<16xf32>
      %broadcast_in_dim3A_137 = arith.constant 0.000000e+00 : f32
      %broadcast_in_dim3A_138 = vector.broadcast %broadcast_in_dim3A_137 : f32 to vector<16xf32>
      %broadcast_in_dim3A_139 = arith.constant 0.000000e+00 : f32
      %broadcast_in_dim3A_140 = vector.broadcast %broadcast_in_dim3A_139 : f32 to vector<16xf32>
      %scan3A_141 = arith.constant 0 : i32
      %scan3A_142 = arith.constant 200 : i32
      %scan3A_143 = arith.addi %scan3A_141, %scan3A_142 : i32
      %scan3A_144 = arith.constant 4 : i32
      %scan3A_145:8 = scf.for %scan3A_194 = %scan3A_141 to %scan3A_143 step %scan3A_144 iter_args(%scan3A_195 = %broadcast_in_dim3A_126, %scan3A_196 = %broadcast_in_dim3A_128, %scan3A_197 = %broadcast_in_dim3A_130, %scan3A_198 = %broadcast_in_dim3A_132, %scan3A_199 = %broadcast_in_dim3A_134, %scan3A_200 = %broadcast_in_dim3A_136, %scan3A_201 = %broadcast_in_dim3A_138, %scan3A_202 = %broadcast_in_dim3A_140) -> (vector<16xf32>, vector<16xf32>, vector<16xf32>, vector<16xf32>, vector<16xf32>, vector<16xf32>, vector<16xf32>, vector<16xf32>)  : i32 {
        %get3A = arith.constant 0 : i32
        %get3A_203 = tpu.memref_slice %arg7[%scan3A_194, %get3A] : memref<200x128xf32, #tpu.memory_space<vmem>> -> memref<1x128xf32, #tpu.memory_space<vmem>>
        %get3A_204 = tpu.memref_squeeze %get3A_203 : memref<1x128xf32, #tpu.memory_space<vmem>> -> memref<128xf32, #tpu.memory_space<vmem>>
        %get3A_205 = arith.constant 0 : index
        %get3A_206 = tpu.vector_load %get3A_204[%get3A_205] {strides = array<i32>} : memref<128xf32, #tpu.memory_space<vmem>>, vector<16xf32>,
        %get3A_207 = vector.shape_cast %get3A_206 : vector<16xf32> to vector<16xf32>
        %add3A_208 = arith.addf %scan3A_195, %get3A_207 : vector<16xf32>
        %get3A_209 = arith.constant 0 : i32
        %get3A_210 = tpu.memref_slice %arg7[%scan3A_194, %get3A_209] : memref<200x128xf32, #tpu.memory_space<vmem>> -> memref<1x128xf32, #tpu.memory_space<vmem>>
        %get3A_211 = tpu.memref_squeeze %get3A_210 : memref<1x128xf32, #tpu.memory_space<vmem>> -> memref<128xf32, #tpu.memory_space<vmem>>
        %get3A_212 = arith.constant 16 : index
        %get3A_213 = tpu.vector_load %get3A_211[%get3A_212] {strides = array<i32>} : memref<128xf32, #tpu.memory_space<vmem>>, vector<16xf32>,
        %get3A_214 = vector.shape_cast %get3A_213 : vector<16xf32> to vector<16xf32>
        %add3A_215 = arith.addf %scan3A_196, %get3A_214 : vector<16xf32>
        %get3A_216 = arith.constant 0 : i32
        %get3A_217 = tpu.memref_slice %arg7[%scan3A_194, %get3A_216] : memref<200x128xf32, #tpu.memory_space<vmem>> -> memref<1x128xf32, #tpu.memory_space<vmem>>
        %get3A_218 = tpu.memref_squeeze %get3A_217 : memref<1x128xf32, #tpu.memory_space<vmem>> -> memref<128xf32, #tpu.memory_space<vmem>>
        %get3A_219 = arith.constant 32 : index
        %get3A_220 = tpu.vector_load %get3A_218[%get3A_219] {strides = array<i32>} : memref<128xf32, #tpu.memory_space<vmem>>, vector<16xf32>,
        %get3A_221 = vector.shape_cast %get3A_220 : vector<16xf32> to vector<16xf32>
        %add3A_222 = arith.addf %scan3A_197, %get3A_221 : vector<16xf32>
        %get3A_223 = arith.constant 0 : i32
        %get3A_224 = tpu.memref_slice %arg7[%scan3A_194, %get3A_223] : memref<200x128xf32, #tpu.memory_space<vmem>> -> memref<1x128xf32, #tpu.memory_space<vmem>>
        %get3A_225 = tpu.memref_squeeze %get3A_224 : memref<1x128xf32, #tpu.memory_space<vmem>> -> memref<128xf32, #tpu.memory_space<vmem>>
        %get3A_226 = arith.constant 48 : index
        %get3A_227 = tpu.vector_load %get3A_225[%get3A_226] {strides = array<i32>} : memref<128xf32, #tpu.memory_space<vmem>>, vector<16xf32>,
        %get3A_228 = vector.shape_cast %get3A_227 : vector<16xf32> to vector<16xf32>
        %add3A_229 = arith.addf %scan3A_198, %get3A_228 : vector<16xf32>
        %get3A_230 = arith.constant 0 : i32
        %get3A_231 = tpu.memref_slice %arg7[%scan3A_194, %get3A_230] : memref<200x128xf32, #tpu.memory_space<vmem>> -> memref<1x128xf32, #tpu.memory_space<vmem>>
        %get3A_232 = tpu.memref_squeeze %get3A_231 : memref<1x128xf32, #tpu.memory_space<vmem>> -> memref<128xf32, #tpu.memory_space<vmem>>
        %get3A_233 = arith.constant 64 : index
        %get3A_234 = tpu.vector_load %get3A_232[%get3A_233] {strides = array<i32>} : memref<128xf32, #tpu.memory_space<vmem>>, vector<16xf32>,
        %get3A_235 = vector.shape_cast %get3A_234 : vector<16xf32> to vector<16xf32>
        %add3A_236 = arith.addf %scan3A_199, %get3A_235 : vector<16xf32>
        %get3A_237 = arith.constant 0 : i32
        %get3A_238 = tpu.memref_slice %arg7[%scan3A_194, %get3A_237] : memref<200x128xf32, #tpu.memory_space<vmem>> -> memref<1x128xf32, #tpu.memory_space<vmem>>
        %get3A_239 = tpu.memref_squeeze %get3A_238 : memref<1x128xf32, #tpu.memory_space<vmem>> -> memref<128xf32, #tpu.memory_space<vmem>>
        %get3A_240 = arith.constant 80 : index
        %get3A_241 = tpu.vector_load %get3A_239[%get3A_240] {strides = array<i32>} : memref<128xf32, #tpu.memory_space<vmem>>, vector<16xf32>,
        %get3A_242 = vector.shape_cast %get3A_241 : vector<16xf32> to vector<16xf32>
        %add3A_243 = arith.addf %scan3A_200, %get3A_242 : vector<16xf32>
        %get3A_244 = arith.constant 0 : i32
        %get3A_245 = tpu.memref_slice %arg7[%scan3A_194, %get3A_244] : memref<200x128xf32, #tpu.memory_space<vmem>> -> memref<1x128xf32, #tpu.memory_space<vmem>>
        %get3A_246 = tpu.memref_squeeze %get3A_245 : memref<1x128xf32, #tpu.memory_space<vmem>> -> memref<128xf32, #tpu.memory_space<vmem>>
        %get3A_247 = arith.constant 96 : index
        %get3A_248 = tpu.vector_load %get3A_246[%get3A_247] {strides = array<i32>} : memref<128xf32, #tpu.memory_space<vmem>>, vector<16xf32>,
        %get3A_249 = vector.shape_cast %get3A_248 : vector<16xf32> to vector<16xf32>
        %add3A_250 = arith.addf %scan3A_201, %get3A_249 : vector<16xf32>
        %get3A_251 = arith.constant 0 : i32
        %get3A_252 = tpu.memref_slice %arg7[%scan3A_194, %get3A_251] : memref<200x128xf32, #tpu.memory_space<vmem>> -> memref<1x128xf32, #tpu.memory_space<vmem>>
        %get3A_253 = tpu.memref_squeeze %get3A_252 : memref<1x128xf32, #tpu.memory_space<vmem>> -> memref<128xf32, #tpu.memory_space<vmem>>
        %get3A_254 = arith.constant 112 : index
        %get3A_255 = tpu.vector_load %get3A_253[%get3A_254] {strides = array<i32>} : memref<128xf32, #tpu.memory_space<vmem>>, vector<16xf32>,
        %get3A_256 = vector.shape_cast %get3A_255 : vector<16xf32> to vector<16xf32>
        %add3A_257 = arith.addf %scan3A_202, %get3A_256 : vector<16xf32>
        %scan3A_258 = arith.constant 1 : i32
        %scan3A_259 = arith.addi %scan3A_194, %scan3A_258 : i32
        %get3A_260 = arith.constant 0 : i32
        %get3A_261 = tpu.memref_slice %arg7[%scan3A_259, %get3A_260] : memref<200x128xf32, #tpu.memory_space<vmem>> -> memref<1x128xf32, #tpu.memory_space<vmem>>
        %get3A_262 = tpu.memref_squeeze %get3A_261 : memref<1x128xf32, #tpu.memory_space<vmem>> -> memref<128xf32, #tpu.memory_space<vmem>>
        %get3A_263 = arith.constant 0 : index
        %get3A_264 = tpu.vector_load %get3A_262[%get3A_263] {strides = array<i32>} : memref<128xf32, #tpu.memory_space<vmem>>, vector<16xf32>,
        %get3A_265 = vector.shape_cast %get3A_264 : vector<16xf32> to vector<16xf32>
        %add3A_266 = arith.addf %add3A_208, %get3A_265 : vector<16xf32>
        %get3A_267 = arith.constant 0 : i32
        %get3A_268 = tpu.memref_slice %arg7[%scan3A_259, %get3A_267] : memref<200x128xf32, #tpu.memory_space<vmem>> -> memref<1x128xf32, #tpu.memory_space<vmem>>
        %get3A_269 = tpu.memref_squeeze %get3A_268 : memref<1x128xf32, #tpu.memory_space<vmem>> -> memref<128xf32, #tpu.memory_space<vmem>>
        %get3A_270 = arith.constant 16 : index
        %get3A_271 = tpu.vector_load %get3A_269[%get3A_270] {strides = array<i32>} : memref<128xf32, #tpu.memory_space<vmem>>, vector<16xf32>,
        %get3A_272 = vector.shape_cast %get3A_271 : vector<16xf32> to vector<16xf32>
        %add3A_273 = arith.addf %add3A_215, %get3A_272 : vector<16xf32>
        %get3A_274 = arith.constant 0 : i32
        %get3A_275 = tpu.memref_slice %arg7[%scan3A_259, %get3A_274] : memref<200x128xf32, #tpu.memory_space<vmem>> -> memref<1x128xf32, #tpu.memory_space<vmem>>
        %get3A_276 = tpu.memref_squeeze %get3A_275 : memref<1x128xf32, #tpu.memory_space<vmem>> -> memref<128xf32, #tpu.memory_space<vmem>>
        %get3A_277 = arith.constant 32 : index
        %get3A_278 = tpu.vector_load %get3A_276[%get3A_277] {strides = array<i32>} : memref<128xf32, #tpu.memory_space<vmem>>, vector<16xf32>,
        %get3A_279 = vector.shape_cast %get3A_278 : vector<16xf32> to vector<16xf32>
        %add3A_280 = arith.addf %add3A_222, %get3A_279 : vector<16xf32>
        %get3A_281 = arith.constant 0 : i32
        %get3A_282 = tpu.memref_slice %arg7[%scan3A_259, %get3A_281] : memref<200x128xf32, #tpu.memory_space<vmem>> -> memref<1x128xf32, #tpu.memory_space<vmem>>
        %get3A_283 = tpu.memref_squeeze %get3A_282 : memref<1x128xf32, #tpu.memory_space<vmem>> -> memref<128xf32, #tpu.memory_space<vmem>>
        %get3A_284 = arith.constant 48 : index
        %get3A_285 = tpu.vector_load %get3A_283[%get3A_284] {strides = array<i32>} : memref<128xf32, #tpu.memory_space<vmem>>, vector<16xf32>,
        %get3A_286 = vector.shape_cast %get3A_285 : vector<16xf32> to vector<16xf32>
        %add3A_287 = arith.addf %add3A_229, %get3A_286 : vector<16xf32>
        %get3A_288 = arith.constant 0 : i32
        %get3A_289 = tpu.memref_slice %arg7[%scan3A_259, %get3A_288] : memref<200x128xf32, #tpu.memory_space<vmem>> -> memref<1x128xf32, #tpu.memory_space<vmem>>
        %get3A_290 = tpu.memref_squeeze %get3A_289 : memref<1x128xf32, #tpu.memory_space<vmem>> -> memref<128xf32, #tpu.memory_space<vmem>>
        %get3A_291 = arith.constant 64 : index
        %get3A_292 = tpu.vector_load %get3A_290[%get3A_291] {strides = array<i32>} : memref<128xf32, #tpu.memory_space<vmem>>, vector<16xf32>,
        %get3A_293 = vector.shape_cast %get3A_292 : vector<16xf32> to vector<16xf32>
        %add3A_294 = arith.addf %add3A_236, %get3A_293 : vector<16xf32>
        %get3A_295 = arith.constant 0 : i32
        %get3A_296 = tpu.memref_slice %arg7[%scan3A_259, %get3A_295] : memref<200x128xf32, #tpu.memory_space<vmem>> -> memref<1x128xf32, #tpu.memory_space<vmem>>
        %get3A_297 = tpu.memref_squeeze %get3A_296 : memref<1x128xf32, #tpu.memory_space<vmem>> -> memref<128xf32, #tpu.memory_space<vmem>>
        %get3A_298 = arith.constant 80 : index
        %get3A_299 = tpu.vector_load %get3A_297[%get3A_298] {strides = array<i32>} : memref<128xf32, #tpu.memory_space<vmem>>, vector<16xf32>,
        %get3A_300 = vector.shape_cast %get3A_299 : vector<16xf32> to vector<16xf32>
        %add3A_301 = arith.addf %add3A_243, %get3A_300 : vector<16xf32>
        %get3A_302 = arith.constant 0 : i32
        %get3A_303 = tpu.memref_slice %arg7[%scan3A_259, %get3A_302] : memref<200x128xf32, #tpu.memory_space<vmem>> -> memref<1x128xf32, #tpu.memory_space<vmem>>
        %get3A_304 = tpu.memref_squeeze %get3A_303 : memref<1x128xf32, #tpu.memory_space<vmem>> -> memref<128xf32, #tpu.memory_space<vmem>>
        %get3A_305 = arith.constant 96 : index
        %get3A_306 = tpu.vector_load %get3A_304[%get3A_305] {strides = array<i32>} : memref<128xf32, #tpu.memory_space<vmem>>, vector<16xf32>,
        %get3A_307 = vector.shape_cast %get3A_306 : vector<16xf32> to vector<16xf32>
        %add3A_308 = arith.addf %add3A_250, %get3A_307 : vector<16xf32>
        %get3A_309 = arith.constant 0 : i32
        %get3A_310 = tpu.memref_slice %arg7[%scan3A_259, %get3A_309] : memref<200x128xf32, #tpu.memory_space<vmem>> -> memref<1x128xf32, #tpu.memory_space<vmem>>
        %get3A_311 = tpu.memref_squeeze %get3A_310 : memref<1x128xf32, #tpu.memory_space<vmem>> -> memref<128xf32, #tpu.memory_space<vmem>>
        %get3A_312 = arith.constant 112 : index
        %get3A_313 = tpu.vector_load %get3A_311[%get3A_312] {strides = array<i32>} : memref<128xf32, #tpu.memory_space<vmem>>, vector<16xf32>,
        %get3A_314 = vector.shape_cast %get3A_313 : vector<16xf32> to vector<16xf32>
        %add3A_315 = arith.addf %add3A_257, %get3A_314 : vector<16xf32>
        %scan3A_316 = arith.constant 2 : i32
        %scan3A_317 = arith.addi %scan3A_194, %scan3A_316 : i32
        %get3A_318 = arith.constant 0 : i32
        %get3A_319 = tpu.memref_slice %arg7[%scan3A_317, %get3A_318] : memref<200x128xf32, #tpu.memory_space<vmem>> -> memref<1x128xf32, #tpu.memory_space<vmem>>
        %get3A_320 = tpu.memref_squeeze %get3A_319 : memref<1x128xf32, #tpu.memory_space<vmem>> -> memref<128xf32, #tpu.memory_space<vmem>>
        %get3A_321 = arith.constant 0 : index
        %get3A_322 = tpu.vector_load %get3A_320[%get3A_321] {strides = array<i32>} : memref<128xf32, #tpu.memory_space<vmem>>, vector<16xf32>,
        %get3A_323 = vector.shape_cast %get3A_322 : vector<16xf32> to vector<16xf32>
        %add3A_324 = arith.addf %add3A_266, %get3A_323 : vector<16xf32>
        %get3A_325 = arith.constant 0 : i32
        %get3A_326 = tpu.memref_slice %arg7[%scan3A_317, %get3A_325] : memref<200x128xf32, #tpu.memory_space<vmem>> -> memref<1x128xf32, #tpu.memory_space<vmem>>
        %get3A_327 = tpu.memref_squeeze %get3A_326 : memref<1x128xf32, #tpu.memory_space<vmem>> -> memref<128xf32, #tpu.memory_space<vmem>>
        %get3A_328 = arith.constant 16 : index
        %get3A_329 = tpu.vector_load %get3A_327[%get3A_328] {strides = array<i32>} : memref<128xf32, #tpu.memory_space<vmem>>, vector<16xf32>,
        %get3A_330 = vector.shape_cast %get3A_329 : vector<16xf32> to vector<16xf32>
        %add3A_331 = arith.addf %add3A_273, %get3A_330 : vector<16xf32>
        %get3A_332 = arith.constant 0 : i32
        %get3A_333 = tpu.memref_slice %arg7[%scan3A_317, %get3A_332] : memref<200x128xf32, #tpu.memory_space<vmem>> -> memref<1x128xf32, #tpu.memory_space<vmem>>
        %get3A_334 = tpu.memref_squeeze %get3A_333 : memref<1x128xf32, #tpu.memory_space<vmem>> -> memref<128xf32, #tpu.memory_space<vmem>>
        %get3A_335 = arith.constant 32 : index
        %get3A_336 = tpu.vector_load %get3A_334[%get3A_335] {strides = array<i32>} : memref<128xf32, #tpu.memory_space<vmem>>, vector<16xf32>,
        %get3A_337 = vector.shape_cast %get3A_336 : vector<16xf32> to vector<16xf32>
        %add3A_338 = arith.addf %add3A_280, %get3A_337 : vector<16xf32>
        %get3A_339 = arith.constant 0 : i32
        %get3A_340 = tpu.memref_slice %arg7[%scan3A_317, %get3A_339] : memref<200x128xf32, #tpu.memory_space<vmem>> -> memref<1x128xf32, #tpu.memory_space<vmem>>
        %get3A_341 = tpu.memref_squeeze %get3A_340 : memref<1x128xf32, #tpu.memory_space<vmem>> -> memref<128xf32, #tpu.memory_space<vmem>>
        %get3A_342 = arith.constant 48 : index
        %get3A_343 = tpu.vector_load %get3A_341[%get3A_342] {strides = array<i32>} : memref<128xf32, #tpu.memory_space<vmem>>, vector<16xf32>,
        %get3A_344 = vector.shape_cast %get3A_343 : vector<16xf32> to vector<16xf32>
        %add3A_345 = arith.addf %add3A_287, %get3A_344 : vector<16xf32>
        %get3A_346 = arith.constant 0 : i32
        %get3A_347 = tpu.memref_slice %arg7[%scan3A_317, %get3A_346] : memref<200x128xf32, #tpu.memory_space<vmem>> -> memref<1x128xf32, #tpu.memory_space<vmem>>
        %get3A_348 = tpu.memref_squeeze %get3A_347 : memref<1x128xf32, #tpu.memory_space<vmem>> -> memref<128xf32, #tpu.memory_space<vmem>>
        %get3A_349 = arith.constant 64 : index
        %get3A_350 = tpu.vector_load %get3A_348[%get3A_349] {strides = array<i32>} : memref<128xf32, #tpu.memory_space<vmem>>, vector<16xf32>,
        %get3A_351 = vector.shape_cast %get3A_350 : vector<16xf32> to vector<16xf32>
        %add3A_352 = arith.addf %add3A_294, %get3A_351 : vector<16xf32>
        %get3A_353 = arith.constant 0 : i32
        %get3A_354 = tpu.memref_slice %arg7[%scan3A_317, %get3A_353] : memref<200x128xf32, #tpu.memory_space<vmem>> -> memref<1x128xf32, #tpu.memory_space<vmem>>
        %get3A_355 = tpu.memref_squeeze %get3A_354 : memref<1x128xf32, #tpu.memory_space<vmem>> -> memref<128xf32, #tpu.memory_space<vmem>>
        %get3A_356 = arith.constant 80 : index
        %get3A_357 = tpu.vector_load %get3A_355[%get3A_356] {strides = array<i32>} : memref<128xf32, #tpu.memory_space<vmem>>, vector<16xf32>,
        %get3A_358 = vector.shape_cast %get3A_357 : vector<16xf32> to vector<16xf32>
        %add3A_359 = arith.addf %add3A_301, %get3A_358 : vector<16xf32>
        %get3A_360 = arith.constant 0 : i32
        %get3A_361 = tpu.memref_slice %arg7[%scan3A_317, %get3A_360] : memref<200x128xf32, #tpu.memory_space<vmem>> -> memref<1x128xf32, #tpu.memory_space<vmem>>
        %get3A_362 = tpu.memref_squeeze %get3A_361 : memref<1x128xf32, #tpu.memory_space<vmem>> -> memref<128xf32, #tpu.memory_space<vmem>>
        %get3A_363 = arith.constant 96 : index
        %get3A_364 = tpu.vector_load %get3A_362[%get3A_363] {strides = array<i32>} : memref<128xf32, #tpu.memory_space<vmem>>, vector<16xf32>,
        %get3A_365 = vector.shape_cast %get3A_364 : vector<16xf32> to vector<16xf32>
        %add3A_366 = arith.addf %add3A_308, %get3A_365 : vector<16xf32>
        %get3A_367 = arith.constant 0 : i32
        %get3A_368 = tpu.memref_slice %arg7[%scan3A_317, %get3A_367] : memref<200x128xf32, #tpu.memory_space<vmem>> -> memref<1x128xf32, #tpu.memory_space<vmem>>
        %get3A_369 = tpu.memref_squeeze %get3A_368 : memref<1x128xf32, #tpu.memory_space<vmem>> -> memref<128xf32, #tpu.memory_space<vmem>>
        %get3A_370 = arith.constant 112 : index
        %get3A_371 = tpu.vector_load %get3A_369[%get3A_370] {strides = array<i32>} : memref<128xf32, #tpu.memory_space<vmem>>, vector<16xf32>,
        %get3A_372 = vector.shape_cast %get3A_371 : vector<16xf32> to vector<16xf32>
        %add3A_373 = arith.addf %add3A_315, %get3A_372 : vector<16xf32>
        %scan3A_374 = arith.constant 3 : i32
        %scan3A_375 = arith.addi %scan3A_194, %scan3A_374 : i32
        %get3A_376 = arith.constant 0 : i32
        %get3A_377 = tpu.memref_slice %arg7[%scan3A_375, %get3A_376] : memref<200x128xf32, #tpu.memory_space<vmem>> -> memref<1x128xf32, #tpu.memory_space<vmem>>
        %get3A_378 = tpu.memref_squeeze %get3A_377 : memref<1x128xf32, #tpu.memory_space<vmem>> -> memref<128xf32, #tpu.memory_space<vmem>>
        %get3A_379 = arith.constant 0 : index
        %get3A_380 = tpu.vector_load %get3A_378[%get3A_379] {strides = array<i32>} : memref<128xf32, #tpu.memory_space<vmem>>, vector<16xf32>,
        %get3A_381 = vector.shape_cast %get3A_380 : vector<16xf32> to vector<16xf32>
        %add3A_382 = arith.addf %add3A_324, %get3A_381 : vector<16xf32>
        %get3A_383 = arith.constant 0 : i32
        %get3A_384 = tpu.memref_slice %arg7[%scan3A_375, %get3A_383] : memref<200x128xf32, #tpu.memory_space<vmem>> -> memref<1x128xf32, #tpu.memory_space<vmem>>
        %get3A_385 = tpu.memref_squeeze %get3A_384 : memref<1x128xf32, #tpu.memory_space<vmem>> -> memref<128xf32, #tpu.memory_space<vmem>>
        %get3A_386 = arith.constant 16 : index
        %get3A_387 = tpu.vector_load %get3A_385[%get3A_386] {strides = array<i32>} : memref<128xf32, #tpu.memory_space<vmem>>, vector<16xf32>,
        %get3A_388 = vector.shape_cast %get3A_387 : vector<16xf32> to vector<16xf32>
        %add3A_389 = arith.addf %add3A_331, %get3A_388 : vector<16xf32>
        %get3A_390 = arith.constant 0 : i32
        %get3A_391 = tpu.memref_slice %arg7[%scan3A_375, %get3A_390] : memref<200x128xf32, #tpu.memory_space<vmem>> -> memref<1x128xf32, #tpu.memory_space<vmem>>
        %get3A_392 = tpu.memref_squeeze %get3A_391 : memref<1x128xf32, #tpu.memory_space<vmem>> -> memref<128xf32, #tpu.memory_space<vmem>>
        %get3A_393 = arith.constant 32 : index
        %get3A_394 = tpu.vector_load %get3A_392[%get3A_393] {strides = array<i32>} : memref<128xf32, #tpu.memory_space<vmem>>, vector<16xf32>,
        %get3A_395 = vector.shape_cast %get3A_394 : vector<16xf32> to vector<16xf32>
        %add3A_396 = arith.addf %add3A_338, %get3A_395 : vector<16xf32>
        %get3A_397 = arith.constant 0 : i32
        %get3A_398 = tpu.memref_slice %arg7[%scan3A_375, %get3A_397] : memref<200x128xf32, #tpu.memory_space<vmem>> -> memref<1x128xf32, #tpu.memory_space<vmem>>
        %get3A_399 = tpu.memref_squeeze %get3A_398 : memref<1x128xf32, #tpu.memory_space<vmem>> -> memref<128xf32, #tpu.memory_space<vmem>>
        %get3A_400 = arith.constant 48 : index
        %get3A_401 = tpu.vector_load %get3A_399[%get3A_400] {strides = array<i32>} : memref<128xf32, #tpu.memory_space<vmem>>, vector<16xf32>,
        %get3A_402 = vector.shape_cast %get3A_401 : vector<16xf32> to vector<16xf32>
        %add3A_403 = arith.addf %add3A_345, %get3A_402 : vector<16xf32>
        %get3A_404 = arith.constant 0 : i32
        %get3A_405 = tpu.memref_slice %arg7[%scan3A_375, %get3A_404] : memref<200x128xf32, #tpu.memory_space<vmem>> -> memref<1x128xf32, #tpu.memory_space<vmem>>
        %get3A_406 = tpu.memref_squeeze %get3A_405 : memref<1x128xf32, #tpu.memory_space<vmem>> -> memref<128xf32, #tpu.memory_space<vmem>>
        %get3A_407 = arith.constant 64 : index
        %get3A_408 = tpu.vector_load %get3A_406[%get3A_407] {strides = array<i32>} : memref<128xf32, #tpu.memory_space<vmem>>, vector<16xf32>,
        %get3A_409 = vector.shape_cast %get3A_408 : vector<16xf32> to vector<16xf32>
        %add3A_410 = arith.addf %add3A_352, %get3A_409 : vector<16xf32>
        %get3A_411 = arith.constant 0 : i32
        %get3A_412 = tpu.memref_slice %arg7[%scan3A_375, %get3A_411] : memref<200x128xf32, #tpu.memory_space<vmem>> -> memref<1x128xf32, #tpu.memory_space<vmem>>
        %get3A_413 = tpu.memref_squeeze %get3A_412 : memref<1x128xf32, #tpu.memory_space<vmem>> -> memref<128xf32, #tpu.memory_space<vmem>>
        %get3A_414 = arith.constant 80 : index
        %get3A_415 = tpu.vector_load %get3A_413[%get3A_414] {strides = array<i32>} : memref<128xf32, #tpu.memory_space<vmem>>, vector<16xf32>,
        %get3A_416 = vector.shape_cast %get3A_415 : vector<16xf32> to vector<16xf32>
        %add3A_417 = arith.addf %add3A_359, %get3A_416 : vector<16xf32>
        %get3A_418 = arith.constant 0 : i32
        %get3A_419 = tpu.memref_slice %arg7[%scan3A_375, %get3A_418] : memref<200x128xf32, #tpu.memory_space<vmem>> -> memref<1x128xf32, #tpu.memory_space<vmem>>
        %get3A_420 = tpu.memref_squeeze %get3A_419 : memref<1x128xf32, #tpu.memory_space<vmem>> -> memref<128xf32, #tpu.memory_space<vmem>>
        %get3A_421 = arith.constant 96 : index
        %get3A_422 = tpu.vector_load %get3A_420[%get3A_421] {strides = array<i32>} : memref<128xf32, #tpu.memory_space<vmem>>, vector<16xf32>,
        %get3A_423 = vector.shape_cast %get3A_422 : vector<16xf32> to vector<16xf32>
        %add3A_424 = arith.addf %add3A_366, %get3A_423 : vector<16xf32>
        %get3A_425 = arith.constant 0 : i32
        %get3A_426 = tpu.memref_slice %arg7[%scan3A_375, %get3A_425] : memref<200x128xf32, #tpu.memory_space<vmem>> -> memref<1x128xf32, #tpu.memory_space<vmem>>
        %get3A_427 = tpu.memref_squeeze %get3A_426 : memref<1x128xf32, #tpu.memory_space<vmem>> -> memref<128xf32, #tpu.memory_space<vmem>>
        %get3A_428 = arith.constant 112 : index
        %get3A_429 = tpu.vector_load %get3A_427[%get3A_428] {strides = array<i32>} : memref<128xf32, #tpu.memory_space<vmem>>, vector<16xf32>,
        %get3A_430 = vector.shape_cast %get3A_429 : vector<16xf32> to vector<16xf32>
        %add3A_431 = arith.addf %add3A_373, %get3A_430 : vector<16xf32>
        scf.yield %add3A_382, %add3A_389, %add3A_396, %add3A_403, %add3A_410, %add3A_417, %add3A_424, %add3A_431 : vector<16xf32>, vector<16xf32>, vector<16xf32>, vector<16xf32>, vector<16xf32>, vector<16xf32>, vector<16xf32>, vector<16xf32>
      }
      %scan3A_146 = arith.constant 200 : i32
      %swap3A_147 = arith.index_cast %add3A_118 : i32 to index
      %swap3A_148 = arith.constant 0 : index
      %swap3A_149 = tpu.vector_load %arg8[%swap3A_147, %swap3A_148] {strides = array<i32>} : memref<128x128xf32, #tpu.memory_space<vmem>>, vector<1x16xf32>,
      %swap3A_150 = vector.shape_cast %swap3A_149 : vector<1x16xf32> to vector<16xf32>
      %swap3A_151 = vector.shape_cast %scan3A_145#0 : vector<16xf32> to vector<1x16xf32>
      tpu.vector_store %arg8[%swap3A_147, %swap3A_148], %swap3A_151 {strides = array<i32>} : memref<128x128xf32, #tpu.memory_space<vmem>>, vector<1x16xf32>,
      %swap3A_152 = arith.index_cast %add3A_118 : i32 to index
      %swap3A_153 = arith.constant 16 : index
      %swap3A_154 = tpu.vector_load %arg8[%swap3A_152, %swap3A_153] {strides = array<i32>} : memref<128x128xf32, #tpu.memory_space<vmem>>, vector<1x16xf32>,
      %swap3A_155 = vector.shape_cast %swap3A_154 : vector<1x16xf32> to vector<16xf32>
      %swap3A_156 = vector.shape_cast %scan3A_145#1 : vector<16xf32> to vector<1x16xf32>
      tpu.vector_store %arg8[%swap3A_152, %swap3A_153], %swap3A_156 {strides = array<i32>} : memref<128x128xf32, #tpu.memory_space<vmem>>, vector<1x16xf32>,
      %swap3A_157 = arith.index_cast %add3A_118 : i32 to index
      %swap3A_158 = arith.constant 32 : index
      %swap3A_159 = tpu.vector_load %arg8[%swap3A_157, %swap3A_158] {strides = array<i32>} : memref<128x128xf32, #tpu.memory_space<vmem>>, vector<1x16xf32>,
      %swap3A_160 = vector.shape_cast %swap3A_159 : vector<1x16xf32> to vector<16xf32>
      %swap3A_161 = vector.shape_cast %scan3A_145#2 : vector<16xf32> to vector<1x16xf32>
      tpu.vector_store %arg8[%swap3A_157, %swap3A_158], %swap3A_161 {strides = array<i32>} : memref<128x128xf32, #tpu.memory_space<vmem>>, vector<1x16xf32>,
      %swap3A_162 = arith.index_cast %add3A_118 : i32 to index
      %swap3A_163 = arith.constant 48 : index
      %swap3A_164 = tpu.vector_load %arg8[%swap3A_162, %swap3A_163] {strides = array<i32>} : memref<128x128xf32, #tpu.memory_space<vmem>>, vector<1x16xf32>,
      %swap3A_165 = vector.shape_cast %swap3A_164 : vector<1x16xf32> to vector<16xf32>
      %swap3A_166 = vector.shape_cast %scan3A_145#3 : vector<16xf32> to vector<1x16xf32>
      tpu.vector_store %arg8[%swap3A_162, %swap3A_163], %swap3A_166 {strides = array<i32>} : memref<128x128xf32, #tpu.memory_space<vmem>>, vector<1x16xf32>,
      %swap3A_167 = arith.index_cast %add3A_118 : i32 to index
      %swap3A_168 = arith.constant 64 : index
      %swap3A_169 = tpu.vector_load %arg8[%swap3A_167, %swap3A_168] {strides = array<i32>} : memref<128x128xf32, #tpu.memory_space<vmem>>, vector<1x16xf32>,
      %swap3A_170 = vector.shape_cast %swap3A_169 : vector<1x16xf32> to vector<16xf32>
      %swap3A_171 = vector.shape_cast %scan3A_145#4 : vector<16xf32> to vector<1x16xf32>
      tpu.vector_store %arg8[%swap3A_167, %swap3A_168], %swap3A_171 {strides = array<i32>} : memref<128x128xf32, #tpu.memory_space<vmem>>, vector<1x16xf32>,
      %swap3A_172 = arith.index_cast %add3A_118 : i32 to index
      %swap3A_173 = arith.constant 80 : index
      %swap3A_174 = tpu.vector_load %arg8[%swap3A_172, %swap3A_173] {strides = array<i32>} : memref<128x128xf32, #tpu.memory_space<vmem>>, vector<1x16xf32>,
      %swap3A_175 = vector.shape_cast %swap3A_174 : vector<1x16xf32> to vector<16xf32>
      %swap3A_176 = vector.shape_cast %scan3A_145#5 : vector<16xf32> to vector<1x16xf32>
      tpu.vector_store %arg8[%swap3A_172, %swap3A_173], %swap3A_176 {strides = array<i32>} : memref<128x128xf32, #tpu.memory_space<vmem>>, vector<1x16xf32>,
      %swap3A_177 = arith.index_cast %add3A_118 : i32 to index
      %swap3A_178 = arith.constant 96 : index
      %swap3A_179 = tpu.vector_load %arg8[%swap3A_177, %swap3A_178] {strides = array<i32>} : memref<128x128xf32, #tpu.memory_space<vmem>>, vector<1x16xf32>,
      %swap3A_180 = vector.shape_cast %swap3A_179 : vector<1x16xf32> to vector<16xf32>
      %swap3A_181 = vector.shape_cast %scan3A_145#6 : vector<16xf32> to vector<1x16xf32>
      tpu.vector_store %arg8[%swap3A_177, %swap3A_178], %swap3A_181 {strides = array<i32>} : memref<128x128xf32, #tpu.memory_space<vmem>>, vector<1x16xf32>,
      %swap3A_182 = arith.index_cast %add3A_118 : i32 to index
      %swap3A_183 = arith.constant 112 : index
      %swap3A_184 = tpu.vector_load %arg8[%swap3A_182, %swap3A_183] {strides = array<i32>} : memref<128x128xf32, #tpu.memory_space<vmem>>, vector<1x16xf32>,
      %swap3A_185 = vector.shape_cast %swap3A_184 : vector<1x16xf32> to vector<16xf32>
      %swap3A_186 = vector.shape_cast %scan3A_145#7 : vector<16xf32> to vector<1x16xf32>
      tpu.vector_store %arg8[%swap3A_182, %swap3A_183], %swap3A_186 {strides = array<i32>} : memref<128x128xf32, #tpu.memory_space<vmem>>, vector<1x16xf32>,
      %add3A_187 = arith.constant 2 : i32
      %add3A_188 = arith.addi %add3A_118, %add3A_187 : i32
      %lt3A_189 = arith.constant 128 : i32
      %lt3A_190 = arith.cmpi slt, %add3A_188, %lt3A_189 : i32
      %convert_element_type3A_191 = arith.extui %lt3A_190 : i1 to i32
      %cond3A_192 = arith.constant 0 : i32
      %cond3A_193 = arith.cmpi ne, %convert_element_type3A_191, %cond3A_192 : i32
      scf.if %cond3A_193 {
        %add3A_194 = arith.constant 2 : i32
        %add3A_195 = arith.addi %add3A_118, %add3A_194 : i32
        %mul3A_196 = arith.constant 200 : i32
        %mul3A_197 = arith.muli %add3A_195, %mul3A_196 : i32
        %add3A_198 = arith.constant 0 : i32
        %add3A_199 = arith.addi %mul3A_197, %add3A_198 : i32
        %dma_start3A_200 = arith.constant 0 : i32
        %dma_start3A_201 = arith.constant 0 : i32
        %dma_start3A_202 = tpu.memref_slice %arg7[%dma_start3A_200, %dma_start3A_201] : memref<200x128xf32, #tpu.memory_space<vmem>> -> memref<104x128xf32, #tpu.memory_space<vmem>>
        %dma_start3A_203 = tpu.memref_slice %arg5[%add3A_199] : memref<25600xi32, #tpu.memory_space<vmem>> -> memref<104xi32, #tpu.memory_space<vmem>>
        %dma_start3A_204 = arith.constant 0 : i32
        %dma_start3A_205 = arith.constant 0 : i32
        %dma_start3A_206 = tpu.memref_slice %arg3[%dma_start3A_204, %dma_start3A_205] : memref<100000x128xf32, #tpu.memory_space<hbm>> -> memref<100000x128xf32, #tpu.memory_space<hbm>>
        tpu.enqueue_indirect_dma source(%dma_start3A_206 : memref<100000x128xf32, #tpu.memory_space<hbm>>) target(%dma_start3A_202 : memref<104x128xf32, #tpu.memory_space<vmem>>) offsets(%dma_start3A_203 : memref<104xi32, #tpu.memory_space<vmem>>) semaphore(%arg10 : memref<!tpu.dma_semaphore, #tpu.memory_space<semaphore_mem>>)
        %mul3A_207 = arith.constant 200 : i32
        %mul3A_208 = arith.muli %add3A_195, %mul3A_207 : i32
        %add3A_209 = arith.constant 104 : i32
        %add3A_210 = arith.addi %mul3A_208, %add3A_209 : i32
        %dma_start3A_211 = arith.constant 104 : i32
        %dma_start3A_212 = arith.constant 0 : i32
        %dma_start3A_213 = tpu.memref_slice %arg7[%dma_start3A_211, %dma_start3A_212] : memref<200x128xf32, #tpu.memory_space<vmem>> -> memref<96x128xf32, #tpu.memory_space<vmem>>
        %dma_start3A_214 = tpu.memref_slice %arg5[%add3A_210] : memref<25600xi32, #tpu.memory_space<vmem>> -> memref<96xi32, #tpu.memory_space<vmem>>
        %dma_start3A_215 = arith.constant 0 : i32
        %dma_start3A_216 = arith.constant 0 : i32
        %dma_start3A_217 = tpu.memref_slice %arg3[%dma_start3A_215, %dma_start3A_216] : memref<100000x128xf32, #tpu.memory_space<hbm>> -> memref<100000x128xf32, #tpu.memory_space<hbm>>
        tpu.enqueue_indirect_dma source(%dma_start3A_217 : memref<100000x128xf32, #tpu.memory_space<hbm>>) target(%dma_start3A_213 : memref<96x128xf32, #tpu.memory_space<vmem>>) offsets(%dma_start3A_214 : memref<96xi32, #tpu.memory_space<vmem>>) semaphore(%arg10 : memref<!tpu.dma_semaphore, #tpu.memory_space<semaphore_mem>>)
      } else {
      }
    }
    %scan3A_40 = arith.constant 64 : i32
    "tpu.region"() ({
      %run_scoped3A = tpu.sem_alloc : memref<!tpu.dma_semaphore, #tpu.memory_space<semaphore_mem>>
      %dma_start3A_41 = arith.constant 0 : i32
      %dma_start3A_42 = tpu.memref_slice %arg4[%mul3A_2, %dma_start3A_41] : memref<4096x128xf32, #tpu.memory_space<hbm>> -> memref<128x128xf32, #tpu.memory_space<hbm>>
      %dma_start3A_43 = arith.constant 0 : i32
      %dma_start3A_44 = tpu.memref_slice %arg4[%mul3A_2, %dma_start3A_43] : memref<4096x128xf32, #tpu.memory_space<hbm>> -> memref<128x128xf32, #tpu.memory_space<hbm>>
      tpu.enqueue_dma source(%arg8 : memref<128x128xf32, #tpu.memory_space<vmem>>) target(%dma_start3A_44 : memref<128x128xf32, #tpu.memory_space<hbm>>) target_semaphore(%run_scoped3A : memref<!tpu.dma_semaphore, #tpu.memory_space<semaphore_mem>>)
      %dma_wait3A = arith.constant 0 : i32
      %dma_wait3A_45 = tpu.memref_slice %arg4[%mul3A_2, %dma_wait3A] : memref<4096x128xf32, #tpu.memory_space<hbm>> -> memref<128x128xf32, #tpu.memory_space<hbm>>
      %dma_wait3A_46 = arith.constant 0 : i32
      %dma_wait3A_47 = tpu.memref_slice %arg4[%mul3A_2, %dma_wait3A_46] : memref<4096x128xf32, #tpu.memory_space<hbm>> -> memref<128x128xf32, #tpu.memory_space<hbm>>
      tpu.wait_dma2 semaphore(%run_scoped3A : memref<!tpu.dma_semaphore, #tpu.memory_space<semaphore_mem>>) src(%arg8 : memref<128x128xf32, #tpu.memory_space<vmem>>) dst(%dma_wait3A_47 : memref<128x128xf32, #tpu.memory_space<hbm>>)
      tpu.yield
    }) : () -> ()
    return
  }
}

module attributes {stable_mosaic.version = 14 : i64} {
  func.func @_ffn_body(%arg0: i32, %arg1: memref<512x128xf32, #tpu.memory_space<vmem>>, %arg2: memref<128x128xf32, #tpu.memory_space<vmem>>, %arg3: memref<1x128xf32, #tpu.memory_space<vmem>>, %arg4: memref<512x128xf32, #tpu.memory_space<vmem>>) attributes {dimension_semantics = [#tpu.dimension_semantics<arbitrary>], iteration_bounds = array<i64: 8>, scalar_prefetch = 0 : i64, scratch_operands = 0 : i64, tpu.core_type = #tpu.core_type<tc>, window_params = [{transform_indices = @transform_0, window_bounds = array<i64: 512, 128>}, {pipeline_mode = #tpu.pipeline_mode<synchronous>, transform_indices = @transform_1, window_bounds = array<i64: 128, 128>}, {pipeline_mode = #tpu.pipeline_mode<synchronous>, transform_indices = @transform_2, window_bounds = array<i64: 1, 128>}, {transform_indices = @transform_3, window_bounds = array<i64: 512, 128>}]} {
    %get3A = arith.constant 0 : index
    %get3A_0 = arith.constant 0 : index
    %get3A_1 = vector.load %arg1[%get3A, %get3A_0] : memref<512x128xf32, #tpu.memory_space<vmem>>, vector<512x128xf32>
    %mul3A = arith.constant 5.000000e-03 : f32
    %mul3A_2 = vector.broadcast %mul3A : f32 to vector<512x128xf32>
    %mul3A_3 = arith.mulf %get3A_1, %mul3A_2 : vector<512x128xf32>
    %get3A_4 = arith.constant 0 : index
    %get3A_5 = arith.constant 0 : index
    %get3A_6 = vector.load %arg2[%get3A_4, %get3A_5] : memref<128x128xf32, #tpu.memory_space<vmem>>, vector<128x128xf32>
    %dot_general3A = arith.constant dense<0.000000e+00> : vector<512x128xf32>
    %dot_general3A_7 = tpu.matmul %mul3A_3, %get3A_6, %dot_general3A {dimension_numbers = #tpu.dot_dimension_numbers<[1], [1], [0], [0], [0, 0, 1, 0], [], []>, transpose_lhs_hint = false} : vector<512x128xf32>, vector<128x128xf32>, vector<512x128xf32> -> vector<512x128xf32>
    %get3A_8 = arith.constant 0 : index
    %get3A_9 = arith.constant 0 : index
    %get3A_10 = vector.load %arg3[%get3A_8, %get3A_9] : memref<1x128xf32, #tpu.memory_space<vmem>>, vector<1x128xf32>
    %add3A = vector.broadcast %get3A_10 : vector<1x128xf32> to vector<512x128xf32>
    %add3A_11 = arith.addf %dot_general3A_7, %add3A : vector<512x128xf32>
    %swap3A = arith.constant 0 : index
    %swap3A_12 = arith.constant 0 : index
    %swap3A_13 = vector.load %arg4[%swap3A, %swap3A_12] : memref<512x128xf32, #tpu.memory_space<vmem>>, vector<512x128xf32>
    tpu.vector_store %arg4[%swap3A, %swap3A_12], %add3A_11 {strides = array<i32>} : memref<512x128xf32, #tpu.memory_space<vmem>>, vector<512x128xf32>,
    return
  }
  func.func @transform_0(%arg0: i32) -> (i32, i32) {
    %c0_i32 = arith.constant 0 : i32
    %c0_i32_0 = arith.constant 0 : i32
    return %arg0, %c0_i32 : i32, i32
  }
  func.func @transform_1(%arg0: i32) -> (i32, i32) {
    %c0_i32 = arith.constant 0 : i32
    %c0_i32_0 = arith.constant 0 : i32
    %c0_i32_1 = arith.constant 0 : i32
    return %c0_i32, %c0_i32_0 : i32, i32
  }
  func.func @transform_2(%arg0: i32) -> (i32, i32) {
    %c0_i32 = arith.constant 0 : i32
    %c0_i32_0 = arith.constant 0 : i32
    %c0_i32_1 = arith.constant 0 : i32
    return %c0_i32, %c0_i32_0 : i32, i32
  }
  func.func @transform_3(%arg0: i32) -> (i32, i32) {
    %c0_i32 = arith.constant 0 : i32
    %c0_i32_0 = arith.constant 0 : i32
    return %arg0, %c0_i32 : i32, i32
  }
}

</mosaic_0001>

<sc_bundles>
// kernel: kernel.4.cloned.1.call-start
scs
__scs_entry_jumppad:
0x0: {  	(pc) =	sbr.rel $0x88, $3  }
0x1: {  	(tag) =	ssettag $0x0;
	lr =	simm.s32 $0x1  }
0x2: {  	[smem:$0x3F9D] =	sst lr;
	_ =	strace $0xD0000000  }
0x3: {  	_ = 	snop  }
0x4: {  	_ = 	snop  }
0x5: {  	_ = 	snop  }
0x6: {  	_ = 	snop  }
0x7: {  	_ = 	snop  }
__scs_overlays_trampoline_lowered:
0x8: {  	[smem:$0x3FAC] =	sst s0  }
0x9: {  	[smem:$0x3FAD] =	sst s1  }
0xa: {  	[smem:$0x3FAE] =	sst s2  }
0xb: {  	[smem:$0x3FAF] =	sst s3  }
0xc: {  	[smem:$0x3FB0] =	sst s4  }
0xd: {  	[smem:$0x3FB1] =	sst s5  }
0xe: {  	[smem:$0x3FB2] =	sst s6  }
0xf: {  	[smem:$0x3FB3] =	sst s7  }
0x10: {  	[smem:$0x3FB4] =	sst s8  }
0x11: {  	[smem:$0x3FB5] =	sst s9;
	s0 =	simm.s32 @!p0 $0x0  }
0x12: {  	s1 =	sld [smem:$0x3F9B];
	s0 =	simm.s32 @p0 $0x1  }
0x13: {  	[smem:$0x3FB6] =	sst s0;
	s0 =	simm.s32 @!p1 $0x0  }
0x14: {  	s2 =	sld [smem:$0x3F9A];
	s0 =	simm.s32 @p1 $0x1  }
0x15: {  	[smem:$0x3FB7] =	sst s0;
	s0 =	simm.s32 @!p2 $0x0  }
0x16: {  	s3 =	sld [smem:$0x3FDB];
	s0 =	simm.s32 @p2 $0x1  }
0x17: {  	s4 =	simm.s32 $0x1BF5;
	[smem:$0x3FB9] =	sst s0  }
0x18: {  	s0 =	sld [smem:$0x3F9C];
	_ =	swait.ge [sflag:s4], $0x0  }
0x19: {  	s7 =	sld [smem:$0x3F9D]  }
0x1a: {  	s8 =	sadd.s32 $0xFFFFE003, lr  }
0x1b: {  	s9 =	sadd.s32 $0xFFFFFEF7, lr;
	s5 =	simm.s32 $0xFFFFFFFF;
	p2 =	slt.u32 s8, $0xFFFFF086  }
0x1c: {  	p1 =	slt.u32 s9, $0xF7A;
	s5 =	simm.s32 @!p2 $0x0  }
0x1d: {  	s5 =	simm.s32 @p1 $0x1;
	p0 =	seq.s32 s7, s2  }
0x1e: {  	s7 =	smul.u32 @!p0 $0xF7A, s2;
	p2 =	seq.s32 @!p0 s5, $0x0  }
0x1f: {  	s9 =	smul.u32 $0xF7A, s1;
	s8 =	simm.s32 @!p0 $0x1BF5;
	p2 =	por !p2, p0  }
0x20: {  	[sflag:s8] =	ssyncset.s32 @!p0 $0xFFFFF086;
	s6 =	sadd.s32 @!p0 s3, s7;
	s7 =	simm.s32 @!p0 $0x108  }
0x21: {  	s3 =	sadd.s32 s3, s9;
	s6 =	sadd.s32 @!p0 $0x88, s6;
	s7 =	simm.s32 @p2 $0x1082  }
0x22: {  	[simem:s7], [sflag:s8] =	dma.local @!p0 [hbm:s6], $0xF7A  }
0x23: {  	s9 =	sor.u32 $0xD0000000, s2;
	s6 =	simm.s32 $0x108;
	_ =	swait.ge @!p0 [sflag:s8], $0x0  }
0x24: {  	s3 =	sadd.s32 $0x88, s3;
	s6 =	simm.s32 @!p1 $0x1082;
	[sflag:s4] =	ssyncset.s32 $0xFFFFF086  }
0x25: {  	[simem:s6], [sflag:s4] =	dma.local [hbm:s3], $0xF7A  }
0x26: {  	[smem:$0x3F9D] =	sst s1;
	(tag) =	ssettag s2;
	_ =	strace s9  }
0x27: {  	s1 =	sld [smem:$0x3FAD]  }
0x28: {  	s2 =	sld [smem:$0x3FAE]  }
0x29: {  	s4 =	sld [smem:$0x3FB0]  }
0x2a: {  	p0 =	seq.s32 s5, $0x0;
	s5 =	sld [smem:$0x3FB1]  }
0x2b: {  	s6 =	sld [smem:$0x3FB2]  }
0x2c: {  	s7 =	sld [smem:$0x3FB3]  }
0x2d: {  	s3 =	simm.s32 $0x108;
	s8 =	sld [smem:$0x3FB4]  }
0x2e: {  	s3 =	simm.s32 @!p0 $0x1082;
	s9 =	sld [smem:$0x3FB5]  }
0x2f: {  	lr =	sadd.s32 s0, s3;
	s0 =	sld [smem:$0x3FAC]  }
0x30: {  	s3 =	sld [smem:$0x3FAF]  }
0x31: {  	[smem:$0x3FB8] =	sst s10  }
0x32: {  	s10 =	sld [smem:$0x3FB6];
	_ =	sdelay $0x3  }
0x33: {  	p0 =	seq.s32 s10, $0x1;
	s10 =	sld [smem:$0x3FB8];
	_ =	sdelay $0x3  }
0x34: {  	[smem:$0x3FB8] =	sst s10  }
0x35: {  	s10 =	sld [smem:$0x3FB7];
	_ =	sdelay $0x3  }
0x36: {  	p1 =	seq.s32 s10, $0x1;
	s10 =	sld [smem:$0x3FB8];
	_ =	sdelay $0x3  }
0x37: {  	[smem:$0x3FB8] =	sst s10  }
0x38: {  	s10 =	sld [smem:$0x3FB9]  }
0x39: {  	_ = 	snop;
	(pc) =	sbr.ind lr, $3  }
0x3a: {  	_ = 	snop  }
0x3b: {  	_ = 	snop  }
0x3c: {  	p2 =	seq.s32 s10, $0x1;
	s10 =	sld [smem:$0x3FB8]  }
0x3d: {  	_ =	shalt  }
0x3e: {  	_ =	shalt  }
0x3f: {  	_ =	shalt  }
0x40: {  	_ =	shalt  }
0x41: {  	_ =	shalt  }
0x42: {  	_ =	shalt  }
0x43: {  	_ =	shalt  }
0x44: {  	_ =	shalt  }
0x45: {  	_ =	shalt  }
0x46: {  	_ =	shalt  }
0x47: {  	_ =	shalt  }
0x48: {  	_ =	shalt  }
0x49: {  	_ =	shalt  }
0x4a: {  	_ =	shalt  }
0x4b: {  	_ =	shalt  }
0x4c: {  	_ =	shalt  }
0x4d: {  	_ =	shalt  }
0x4e: {  	_ =	shalt  }
0x4f: {  	_ =	shalt  }
0x50: {  	_ =	shalt  }
0x51: {  	_ =	shalt  }
0x52: {  	_ =	shalt  }
0x53: {  	_ =	shalt  }
0x54: {  	_ =	shalt  }
0x55: {  	_ =	shalt  }
0x56: {  	_ =	shalt  }
0x57: {  	_ =	shalt  }
0x58: {  	_ =	shalt  }
0x59: {  	_ =	shalt  }
0x5a: {  	_ =	shalt  }
0x5b: {  	_ =	shalt  }
0x5c: {  	_ =	shalt  }
0x5d: {  	_ =	shalt  }
0x5e: {  	_ =	shalt  }
0x5f: {  	_ =	shalt  }
0x60: {  	_ =	shalt  }
0x61: {  	_ =	shalt  }
0x62: {  	_ =	shalt  }
0x63: {  	_ =	shalt  }
0x64: {  	_ =	shalt  }
0x65: {  	_ =	shalt  }
0x66: {  	_ =	shalt  }
0x67: {  	_ =	shalt  }
0x68: {  	_ =	shalt  }
0x69: {  	_ =	shalt  }
0x6a: {  	_ =	shalt  }
0x6b: {  	_ =	shalt  }
0x6c: {  	_ =	shalt  }
0x6d: {  	_ =	shalt  }
0x6e: {  	_ =	shalt  }
0x6f: {  	_ =	shalt  }
0x70: {  	_ =	shalt  }
0x71: {  	_ =	shalt  }
0x72: {  	_ =	shalt  }
0x73: {  	_ =	shalt  }
0x74: {  	_ =	shalt  }
0x75: {  	_ =	shalt  }
0x76: {  	_ =	shalt  }
0x77: {  	_ =	shalt  }
0x78: {  	_ =	shalt  }
0x79: {  	_ =	shalt  }
0x7a: {  	_ =	shalt  }
0x7b: {  	_ =	shalt  }
0x7c: {  	_ =	shalt  }
0x7d: {  	_ =	shalt  }
0x7e: {  	_ =	shalt  }
0x7f: {  	_ =	shalt  }
0x80: {  	_ =	shalt  }
0x81: {  	_ =	shalt  }
0x82: {  	_ =	shalt  }
0x83: {  	_ =	shalt  }
0x84: {  	_ =	shalt  }
0x85: {  	_ =	shalt  }
0x86: {  	_ =	shalt  }
0x87: {  	_ =	shalt  }
.Lfunc_end0:
.L_simem_size_0:
called_computation_lowered:
.L_overlay_start_0:
0x88: {  	s2 =	sld [smem:$0x3FD9]  }
0x89: {  	s3 =	sld [smem:$0x3FFE];
	_ =	sdelay $0x1  }
0x8a: {  	s1 =	srdreg.scid  }
0x8b: {  	s0 =	sand.u32 $0x1, s1  }
0x8c: {  	s17 =	sshll.u32 s0, $0xA;
	s2 =	sadd.s32 s3, s2  }
0x8d: {  	s2 =	sadd.s32 s2, s17  }
0x8e: {  	[smem:$0x3FC4] =	sst s2  }
0x8f: {  	_ = 	snop  }
0x90: {  	s2 =	sld [smem:$0x3FC8]  }
0x91: {  	s18 =	sld [smem:$0x3FD0];
	(tm) =	ssettm $0x1  }
0x92: {  	s4 =	sld [smem:$0x3FFB];
	_ =	sdelay $0x3  }
0x93: {  	_ =	strace s4  }
0x94: {  	s4 =	sld [smem:$0x3FFC];
	_ =	sdelay $0x3  }
0x95: {  	_ =	strace s4  }
0x96: {  	s4 =	sld [smem:$0x3FFD];
	_ =	sdelay $0x3  }
0x97: {  	_ =	strace s4  }
0x98: {  	_ =	strace $0x8FFFFFFF  }
0x99: {  	s19 =	sld [smem:$0x3FDB];
	_ =	sdelay $0x1  }
0x9a: {  	s5 =	simm.s32 $_scs_section_size  }
0x9b: {  	s6 =	simm.s32 $_size__tile_overlayer_lowered;
	s7 =	simm.s32 $_tile_overlayer_lowered  }
0x9c: {  	s22 =	simm.s32 $0x1BFF;
	s21 =	sshll.u32 s7, $0x1;
	s4 =	sadd.s32 s5, s19  }
0x9d: {  	s8 =	simm.s32 $0x0;
	s20 =	sshll.u32 s6, $0x1;
	s6 =	sadd.s32 s21, s4  }
0x9e: {  	[timem:s8], [sflag:s22] =	dma.local [hbm:s6], s20  }
0x9f: {  	_ =	swait.ge [sflag:s22], s20  }
0xa0: {  	s5 =	ssub.s32 $0x0, s20;
	[sflag:s22] =	ssyncset.done $0x0  }
0xa1: {  	[sflag:s22] =	ssyncadd.s32 s5;
	_ =	sdelay $0x1  }
0xa2: {  	s23 =	simm.s32 $0x1B8B  }
0xa3: {  	_ =	swait.ge [sflag:s23], $0x1  }
0xa4: {  	[sflag:s23] =	ssyncset.done $0x0  }
0xa5: {  	s25 =	simm.s32 $0x1B8E;
	s24 =	sld [smem:$0x3FFE];
	[sflag:s23] =	ssyncadd.s32 $0xFFFFFFFF  }
0xa6: {  	s26 =	simm.s32 $execute0_lowered;
	[smem:$0x3FD2] =	sst s25  }
0xa7: {  	s6 =	sshll.u32 s26, $0x1;
	_ =	strace $0x80000046;
	[dreg:$0x1] =	wrdreg $0xFFFFFFFF  }
0xa8: {  	s28 =	simm.s32 $_size_execute0_lowered;
	s4 =	sadd.s32 s4, s6;
	[dreg:$0x0] =	wrdreg $0x0  }
0xa9: {  	s6 =	sshll.u32 s28, $0x1;
	[dreg:$0x2] =	wrdreg s4  }
0xaa: {  	[dreg:$0x3] =	wrdreg s6  }
0xab: {  	[dreg:$0x4] =	wrdreg $0xC0  }
0xac: {  	_ =	task [dreg:s8], $0x5FFFF  }
0xad: {  	[dreg:$0x1] =	wrdreg $0xFFFFFFFF  }
0xae: {  	[dreg:$0x0] =	wrdreg $0x60  }
0xaf: {  	[dreg:$0x2] =	wrdreg s24  }
0xb0: {  	[dreg:$0x3] =	wrdreg s2  }
0xb1: {  	[dreg:$0x4] =	wrdreg s18  }
0xb2: {  	[dreg:$0x5] =	wrdreg $0x9  }
0xb3: {  	_ =	task.clear_ibuf [dreg:s8], $0x6FFFF;
	_ =	strace $0x90000046  }
0xb4: {  	s29 =	simm.s32 $0x9;
	_ =	strace $0x80000048  }
0xb5: {  	_ =	swait.ge [sflag:s29], $0x1  }
0xb6: {  	[sflag:s29] =	ssyncadd.s32 $0xFFFFFFFF  }
0xb7: {  	_ =	strace $0x90000048  }
0xb8: {  	_ =	sfence  }
0xb9: {  	s30 =	sld [smem:$0x0];
	_ =	sdelay $0x2  }
0xba: {  	s31 =	sshll.u32 s1, $0xD;
	s1 =	sshrl.u32 s1, $0x2  }
0xbb: {  	s3 =	sand.u32 $0x4000, s31;
	s1 =	sadd.s32 s1, s30  }
0xbc: {  	s0 =	sor.u32 s3, s0;
	s1 =	sshll.u32 s1, $0x11  }
0xbd: {  	s0 =	sor.u32 s1, s0  }
0xbe: {  	s0 =	sadd.s32 $0x8F2B, s0  }
0xbf: {  	[sflag:s0] =	ssyncadd.remote.s32 $0x1  }
0xc0: {  	_ =	sfence.sel $0xFFFF  }
0xc1: {  	[dreg:$0x0] =	wrdreg $0xFFFFFFFF;
	(pc) =	sbr.abs _section_cstart, $3  }
0xc2: {  	[dreg:$0x1] =	wrdreg $0xFFFFFFFF  }
0xc3: {  	_ =	task.clear_ibuf [dreg:s8], $0x2FFFF;
	_ =	strace $0x9FFFFFFF  }
0xc4: {  	(tm) =	ssettm $0x7FFFFFFF  }
0xc5: {  	_ =	shalt  }
tec
execute0_lowered:
.L_overlay_start_1:
0x0: {  	(tag) =	ssettag $0x1  }
0x1: {  	s4 =	rddreg [dreg:$0x0]  }
0x2: {  	s1 =	srdreg.scid;
	s2 =	rddreg [dreg:$0x1]  }
0x3: {  	s0 =	stileid.u32;
	s6 =	rddreg [dreg:$0x2]  }
0x4: {  	s3 =	simm.s32 $0x0;
	s9 =	simm.s32 $0x6400;
	s10 =	simm.s32 $0x60  }
0x5: {  	s11 =	simm.s32 $0x9800;
	s12 =	simm.s32 $0xC8;
	s13 =	simm.s32 $0xC800  }
0x6: {  	s14 =	simm.s32 $0x130;
	s15 =	simm.s32 $0xFC00;
	s16 =	simm.s32 $0x1  }
0x7: {  	s17 =	simm.s32 $0x2;
	s18 =	simm.s32 $0x12C00;
	s19 =	simm.s32 $0x0  }
0x8: {  	s5 =	sand.u32 $0x1, s1;
	s29 =	sshll.u32 s0, $0x1;
	s1 =	rddreg [dreg:$0x3]  }
.Ltmp0:
0x9: {  	[smem:$0x7FF] =	sst s3;
	s7 =	sor.u32 s5, s29;
	(pc) =	sbr.rel .LBB2_1-.Ltmp0, $4  }
0xa: {  	s5 =	ssub.s32 $0x2, s5;
	_ =	strace $0x80000047;
	s8 =	smul.u32 $0xC80, s7  }
0xb: {  	s30 =	sshrl.u32 s5, $0x1;
	s31 =	sshll.u32 s7, $0xB;
	s7 =	simm.s32 $0x3  }
0xc: {  	s4 =	sadd.s32 s8, s4;
	s8 =	ssub.s32 s5, s30;
	s5 =	sadd.s32 s6, s31  }
0xd: {  	s4 =	sadd.s32 $0xA00, s4;
	s6 =	smax.u32 s8, $0x1;
	s8 =	simm.s32 $0x68  }
.LBB2_8:
0xe: {  	s19 =	sadd.s32 $0x1, s19  }
0xf: {  	p0 =	sne.s32 s19, s6  }
.Ltmp1:
0x10: {  	_ = 	snop;
	(pc) =	sbr.rel @!p0 .LBB2_9-.Ltmp1, $4  }
0x11: {  	[hbm4b:s5+s3] =	stream.linear.scatter [tilespmem:s18], [sflag:$0x3], $0x4000, $0x38;
	[tilespmem:$0x16C00] =	vst v63  }
0x12: {  	_ =	swait.ge [sflag:s7], $0x4000  }
0x13: {  	[sflag:s7] =	ssyncset.done $0x0  }
0x14: {  	[sflag:s7] =	ssyncadd.s32 $0xFFFFC000  }
.LBB2_1:
0x15: {  	[tilespmem:s3], [sflag:$0x3] =	stream.linear.gather [hbm4b:s4+s3], $0x6400, $0x38;
	[tilespmem:$0x16C00] =	vst v63  }
0x16: {  	_ =	swait.ge [sflag:s7], $0x6400  }
0x17: {  	[sflag:s7] =	ssyncset.done $0x0  }
0x18: {  	[sflag:s7] =	ssyncadd.s32 $0xFFFF9C00  }
0x19: {  	[tilespmem:s9], [sflag:$0x1] =	stream.indirect.gather [hbm4b:s2+s8], $0x80, s3, s8, $0xb8;
	[tilespmem:$0x16C00] =	vst v63  }
0x1a: {  	_ = 	snop  }
0x1b: {  	[tilespmem:s11], [sflag:$0x1] =	stream.indirect.gather [hbm4b:s2+s10], $0x80, s8, s10, $0xb8;
	[tilespmem:$0x16C00] =	vst v63  }
0x1c: {  	_ = 	snop  }
0x1d: {  	[tilespmem:s13], [sflag:$0x2] =	stream.indirect.gather [hbm4b:s2+s8], $0x80, s12, s8, $0xb8;
	[tilespmem:$0x16C00] =	vst v63  }
0x1e: {  	s20 =	simm.s32 $0x0  }
0x1f: {  	[tilespmem:s15], [sflag:$0x2] =	stream.indirect.gather [hbm4b:s2+s10], $0x80, s14, s10, $0xb8;
	[tilespmem:$0x16C00] =	vst v63  }
.LBB2_2:
0x20: {  	_ =	swait.ge [sflag:s16], $0x6400  }
0x21: {  	[sflag:s16] =	ssyncset.done $0x0  }
0x22: {  	s22 =	simm.s32 $0x6500;
	[sflag:s16] =	ssyncadd.s32 $0xFFFF9C00  }
0x23: {  	v4 =	vld [tilespmem:s22+$0x80]  }
0x24: {  	v5 =	vld [tilespmem:s22+$0x90]  }
0x25: {  	v11 =	vld [tilespmem:s22+$0xA0]  }
0x26: {  	v12 =	vld [tilespmem:s22+$0xB0]  }
0x27: {  	v0 =	vld [tilespmem:s22+$0xC0]  }
0x28: {  	v1 =	vld [tilespmem:s22+$0xD0]  }
0x29: {  	v6 =	vld [tilespmem:s22+$0x0]  }
0x2a: {  	v7 =	vld [tilespmem:s22+$0x10]  }
0x2b: {  	v9 =	vld [tilespmem:s22+$0x20]  }
0x2c: {  	v10 =	vld [tilespmem:s22+$0x30]  }
0x2d: {  	v3 =	vld [tilespmem:s22+$0x40]  }
0x2e: {  	v2 =	vld [tilespmem:s22+$0x50]  }
0x2f: {  	v8 =	vld [tilespmem:s22+$0xFFFFFF80]  }
0x30: {  	v13 =	vld [tilespmem:s22+$0xFFFFFF90]  }
0x31: {  	v14 =	vld [tilespmem:s22+$0xFFFFFF00]  }
0x32: {  	v15 =	vld [tilespmem:s22+$0xFFFFFF10]  }
0x33: {  	v16 =	vld [tilespmem:s22+$0xFFFFFF20]  }
0x34: {  	v17 =	vld [tilespmem:s22+$0xFFFFFF30]  }
0x35: {  	v18 =	vld [tilespmem:s22+$0xFFFFFFA0]  }
0x36: {  	v19 =	vld [tilespmem:s22+$0xFFFFFFB0]  }
0x37: {  	v20 =	vimm.f32 $0.0e+00;
	v21 =	vld [tilespmem:s22+$0xFFFFFFC0]  }
0x38: {  	v22 =	vld [tilespmem:s22+$0xFFFFFFD0];
	v14 =	vadd.f32 v14, v20;
	v15 =	vadd.f32 v15, v20  }
0x39: {  	v23 =	vld [tilespmem:s22+$0xFFFFFF40];
	v16 =	vadd.f32 v16, v20;
	v17 =	vadd.f32 v17, v20  }
0x3a: {  	v24 =	vld [tilespmem:s22+$0xFFFFFF50];
	v8 =	vadd.f32 v8, v14;
	v13 =	vadd.f32 v13, v15  }
0x3b: {  	v14 =	vld [tilespmem:s22+$0xFFFFFF60];
	v15 =	vadd.f32 v18, v16;
	v16 =	vadd.f32 v19, v17  }
0x3c: {  	v17 =	vld [tilespmem:s22+$0xFFFFFF70];
	v6 =	vadd.f32 v6, v8;
	v13 =	vadd.f32 v7, v13  }
0x3d: {  	v8 =	vld [tilespmem:s22+$0xFFFFFFE0];
	v15 =	vadd.f32 v9, v15;
	v16 =	vadd.f32 v10, v16  }
0x3e: {  	v10 =	vld [tilespmem:s22+$0xFFFFFFF0];
	v7 =	vadd.f32 v4, v6;
	v6 =	vadd.f32 v5, v13  }
0x3f: {  	v9 =	vld [tilespmem:s22+$0x60];
	v5 =	vadd.f32 v11, v15;
	v4 =	vadd.f32 v12, v16  }
0x40: {  	v13 =	vadd.f32 v23, v20;
	v16 =	vadd.f32 v24, v20;
	v12 =	vld [tilespmem:s22+$0x70]  }
0x41: {  	v11 =	vld [tilespmem:s22+$0xE0];
	v15 =	vadd.f32 v14, v20;
	v14 =	vadd.f32 v17, v20  }
0x42: {  	s21 =	simm.s32 $0x0;
	v17 =	vadd.f32 v21, v13;
	v16 =	vadd.f32 v22, v16;
	v13 =	vld [tilespmem:s22+$0xF0];
	s22 =	simm.s32 $0x6700  }
.LBB2_3:
0x43: {  	v18 =	vld [tilespmem:s22+$0x80];
	v8 =	vadd.f32 v8, v15;
	v10 =	vadd.f32 v10, v14  }
0x44: {  	v14 =	vld [tilespmem:s22+$0x90];
	v3 =	vadd.f32 v3, v17;
	v2 =	vadd.f32 v2, v16  }
0x45: {  	v15 =	vld [tilespmem:s22+$0xA0];
	v8 =	vadd.f32 v9, v8;
	v9 =	vadd.f32 v12, v10  }
0x46: {  	v12 =	vld [tilespmem:s22+$0xB0];
	v16 =	vadd.f32 v0, v3;
	v17 =	vadd.f32 v1, v2  }
0x47: {  	v0 =	vld [tilespmem:s22+$0xC0];
	v11 =	vadd.f32 v11, v8;
	v13 =	vadd.f32 v13, v9  }
0x48: {  	v1 =	vld [tilespmem:s22+$0xD0]  }
0x49: {  	v8 =	vld [tilespmem:s22+$0x0]  }
0x4a: {  	v9 =	vld [tilespmem:s22+$0x10]  }
0x4b: {  	v10 =	vld [tilespmem:s22+$0x20]  }
0x4c: {  	v19 =	vld [tilespmem:s22+$0x30]  }
0x4d: {  	v3 =	vld [tilespmem:s22+$0x40]  }
0x4e: {  	v2 =	vld [tilespmem:s22+$0x50]  }
0x4f: {  	v20 =	vld [tilespmem:s22+$0xFFFFFF80]  }
0x50: {  	v21 =	vld [tilespmem:s22+$0xFFFFFF90]  }
0x51: {  	v22 =	vld [tilespmem:s22+$0xFFFFFF00]  }
0x52: {  	v23 =	vld [tilespmem:s22+$0xFFFFFF10]  }
0x53: {  	v24 =	vld [tilespmem:s22+$0xFFFFFF20]  }
0x54: {  	v25 =	vld [tilespmem:s22+$0xFFFFFF30]  }
0x55: {  	v26 =	vld [tilespmem:s22+$0xFFFFFFA0]  }
0x56: {  	v27 =	vld [tilespmem:s22+$0xFFFFFFB0]  }
0x57: {  	v28 =	vld [tilespmem:s22+$0xFFFFFFC0]  }
0x58: {  	v7 =	vadd.f32 v22, v7;
	v6 =	vadd.f32 v23, v6;
	v22 =	vld [tilespmem:s22+$0xFFFFFFD0]  }
0x59: {  	v5 =	vadd.f32 v24, v5;
	v4 =	vadd.f32 v25, v4;
	v23 =	vld [tilespmem:s22+$0xFFFFFF40]  }
0x5a: {  	v7 =	vadd.f32 v20, v7;
	v6 =	vadd.f32 v21, v6;
	v24 =	vld [tilespmem:s22+$0xFFFFFF50]  }
0x5b: {  	v5 =	vadd.f32 v26, v5;
	v20 =	vld [tilespmem:s22+$0xFFFFFF60];
	v4 =	vadd.f32 v27, v4  }
0x5c: {  	s21 =	sadd.s32 $0x4, s21;
	v7 =	vadd.f32 v8, v7;
	v6 =	vadd.f32 v9, v6;
	v21 =	vld [tilespmem:s22+$0xFFFFFF70]  }
0x5d: {  	p0 =	slt.u32 s21, $0xC4;
	v5 =	vadd.f32 v10, v5;
	v8 =	vld [tilespmem:s22+$0xFFFFFFE0];
	v4 =	vadd.f32 v19, v4  }
.Ltmp2:
0x5e: {  	v7 =	vadd.f32 v18, v7;
	v6 =	vadd.f32 v14, v6;
	v10 =	vld [tilespmem:s22+$0xFFFFFFF0];
	(pc) =	sbr.rel @p0 .LBB2_3-.Ltmp2, $4  }
0x5f: {  	v5 =	vadd.f32 v15, v5;
	v9 =	vld [tilespmem:s22+$0x60];
	v4 =	vadd.f32 v12, v4  }
0x60: {  	v16 =	vadd.f32 v23, v16;
	v18 =	vadd.f32 v24, v17;
	v12 =	vld [tilespmem:s22+$0x70]  }
0x61: {  	v15 =	vadd.f32 v20, v11;
	v14 =	vadd.f32 v21, v13;
	v11 =	vld [tilespmem:s22+$0xE0]  }
0x62: {  	v17 =	vadd.f32 v28, v16;
	v16 =	vadd.f32 v22, v18;
	v13 =	vld [tilespmem:s22+$0xF0];
	s22 =	sadd.s32 $0x200, s22  }
0x63: {  	s21 =	sshll.u32 s20, $0x8  }
0x64: {  	s21 =	sand.u32 $0x3FFFFF00, s21  }
0x65: {  	v8 =	vadd.f32 v8, v15;
	v3 =	vadd.f32 v3, v17;
	[tilespmem:s21+$0x12C00] =	vst v7  }
0x66: {  	v2 =	vadd.f32 v2, v16;
	v7 =	vadd.f32 v10, v14;
	[tilespmem:s21+$0x12C10] =	vst v6  }
0x67: {  	v6 =	vadd.f32 v9, v8;
	[tilespmem:s21+$0x12C20] =	vst v5;
	v0 =	vadd.f32 v0, v3  }
0x68: {  	p0 =	seq.s32 s20, $0x3F;
	[tilespmem:s21+$0x12C30] =	vst v4;
	v1 =	vadd.f32 v1, v2;
	v3 =	vadd.f32 v12, v7  }
0x69: {  	s22 =	smul.u32 @!p0 $0x640, s20;
	v2 =	vadd.f32 v11, v6;
	[tilespmem:s21+$0x12C40] =	vst v0  }
0x6a: {  	[tilespmem:s21+$0x12C50] =	vst v1;
	v0 =	vadd.f32 v13, v3  }
0x6b: {  	s22 =	sshra.s32 @!p0 s22, $0x2;
	[tilespmem:s21+$0x12C60] =	vst v2  }
0x6c: {  	s24 =	simm.s32 @!p0 $0x68;
	s25 =	simm.s32 @!p0 $0x6400;
	s23 =	sadd.s32 @!p0 $0x190, s22;
	[tilespmem:s21+$0x12C70] =	vst v0  }
0x6d: {  	[tilespmem:s25], [sflag:$0x1] =	stream.indirect.gather @!p0 [hbm4b:s2+s24], $0x80, s23, s24, $0xb8;
	[tilespmem:$0x16C00] =	vst v63  }
0x6e: {  	s22 =	sadd.s32 @!p0 $0x1F8, s22;
	s23 =	simm.s32 @!p0 $0x60;
	s24 =	simm.s32 @!p0 $0x9800  }
0x6f: {  	[tilespmem:s24], [sflag:$0x1] =	stream.indirect.gather @!p0 [hbm4b:s2+s23], $0x80, s22, s23, $0xb8;
	[tilespmem:$0x16C00] =	vst v63  }
0x70: {  	_ =	swait.ge [sflag:s17], $0x6400  }
0x71: {  	[sflag:s17] =	ssyncset.done $0x0  }
0x72: {  	s31 =	simm.s32 $0xC900;
	[sflag:s17] =	ssyncadd.s32 $0xFFFF9C00  }
0x73: {  	v4 =	vld [tilespmem:s31+$0x80]  }
0x74: {  	v5 =	vld [tilespmem:s31+$0x90]  }
0x75: {  	v11 =	vld [tilespmem:s31+$0xA0]  }
0x76: {  	v12 =	vld [tilespmem:s31+$0xB0]  }
0x77: {  	v0 =	vld [tilespmem:s31+$0xC0]  }
0x78: {  	v1 =	vld [tilespmem:s31+$0xD0]  }
0x79: {  	v6 =	vld [tilespmem:s31+$0x0]  }
0x7a: {  	v7 =	vld [tilespmem:s31+$0x10]  }
0x7b: {  	v9 =	vld [tilespmem:s31+$0x20]  }
0x7c: {  	v10 =	vld [tilespmem:s31+$0x30]  }
0x7d: {  	v3 =	vld [tilespmem:s31+$0x40]  }
0x7e: {  	v2 =	vld [tilespmem:s31+$0x50]  }
0x7f: {  	v8 =	vld [tilespmem:s31+$0xFFFFFF80]  }
0x80: {  	v13 =	vld [tilespmem:s31+$0xFFFFFF90]  }
0x81: {  	v14 =	vld [tilespmem:s31+$0xFFFFFF00]  }
0x82: {  	v15 =	vld [tilespmem:s31+$0xFFFFFF10]  }
0x83: {  	v16 =	vld [tilespmem:s31+$0xFFFFFF20]  }
0x84: {  	v17 =	vld [tilespmem:s31+$0xFFFFFF30]  }
0x85: {  	v18 =	vld [tilespmem:s31+$0xFFFFFFA0]  }
0x86: {  	v19 =	vld [tilespmem:s31+$0xFFFFFFB0]  }
0x87: {  	v20 =	vimm.f32 $0.0e+00;
	v21 =	vld [tilespmem:s31+$0xFFFFFFC0]  }
0x88: {  	v22 =	vld [tilespmem:s31+$0xFFFFFFD0];
	v14 =	vadd.f32 v14, v20;
	v15 =	vadd.f32 v15, v20  }
0x89: {  	v23 =	vld [tilespmem:s31+$0xFFFFFF40];
	v16 =	vadd.f32 v16, v20;
	v17 =	vadd.f32 v17, v20  }
0x8a: {  	v24 =	vld [tilespmem:s31+$0xFFFFFF50];
	v8 =	vadd.f32 v8, v14;
	v13 =	vadd.f32 v13, v15  }
0x8b: {  	v14 =	vld [tilespmem:s31+$0xFFFFFF60];
	v15 =	vadd.f32 v18, v16;
	v16 =	vadd.f32 v19, v17  }
0x8c: {  	v17 =	vld [tilespmem:s31+$0xFFFFFF70];
	v6 =	vadd.f32 v6, v8;
	v13 =	vadd.f32 v7, v13  }
0x8d: {  	v8 =	vld [tilespmem:s31+$0xFFFFFFE0];
	v15 =	vadd.f32 v9, v15;
	v16 =	vadd.f32 v10, v16  }
0x8e: {  	v10 =	vld [tilespmem:s31+$0xFFFFFFF0];
	v7 =	vadd.f32 v4, v6;
	v6 =	vadd.f32 v5, v13  }
0x8f: {  	v9 =	vld [tilespmem:s31+$0x60];
	v5 =	vadd.f32 v11, v15;
	v4 =	vadd.f32 v12, v16  }
0x90: {  	v13 =	vadd.f32 v23, v20;
	v16 =	vadd.f32 v24, v20;
	v12 =	vld [tilespmem:s31+$0x70]  }
0x91: {  	v11 =	vld [tilespmem:s31+$0xE0];
	v15 =	vadd.f32 v14, v20;
	v14 =	vadd.f32 v17, v20  }
0x92: {  	s22 =	simm.s32 $0x0;
	s23 =	simm.s32 $0xCB00;
	v17 =	vadd.f32 v21, v13;
	v16 =	vadd.f32 v22, v16;
	v13 =	vld [tilespmem:s31+$0xF0]  }
.LBB2_5:
0x93: {  	v18 =	vld [tilespmem:s23+$0x80];
	v8 =	vadd.f32 v8, v15;
	v10 =	vadd.f32 v10, v14  }
0x94: {  	v14 =	vld [tilespmem:s23+$0x90];
	v3 =	vadd.f32 v3, v17;
	v2 =	vadd.f32 v2, v16  }
0x95: {  	v15 =	vld [tilespmem:s23+$0xA0];
	v8 =	vadd.f32 v9, v8;
	v9 =	vadd.f32 v12, v10  }
0x96: {  	v12 =	vld [tilespmem:s23+$0xB0];
	v16 =	vadd.f32 v0, v3;
	v17 =	vadd.f32 v1, v2  }
0x97: {  	v0 =	vld [tilespmem:s23+$0xC0];
	v11 =	vadd.f32 v11, v8;
	v13 =	vadd.f32 v13, v9  }
0x98: {  	v1 =	vld [tilespmem:s23+$0xD0]  }
0x99: {  	v8 =	vld [tilespmem:s23+$0x0]  }
0x9a: {  	v9 =	vld [tilespmem:s23+$0x10]  }
0x9b: {  	v10 =	vld [tilespmem:s23+$0x20]  }
0x9c: {  	v19 =	vld [tilespmem:s23+$0x30]  }
0x9d: {  	v3 =	vld [tilespmem:s23+$0x40]  }
0x9e: {  	v2 =	vld [tilespmem:s23+$0x50]  }
0x9f: {  	v20 =	vld [tilespmem:s23+$0xFFFFFF80]  }
0xa0: {  	v21 =	vld [tilespmem:s23+$0xFFFFFF90]  }
0xa1: {  	v22 =	vld [tilespmem:s23+$0xFFFFFF00]  }
0xa2: {  	v23 =	vld [tilespmem:s23+$0xFFFFFF10]  }
0xa3: {  	v24 =	vld [tilespmem:s23+$0xFFFFFF20]  }
0xa4: {  	v25 =	vld [tilespmem:s23+$0xFFFFFF30]  }
0xa5: {  	v26 =	vld [tilespmem:s23+$0xFFFFFFA0]  }
0xa6: {  	v27 =	vld [tilespmem:s23+$0xFFFFFFB0]  }
0xa7: {  	v28 =	vld [tilespmem:s23+$0xFFFFFFC0]  }
0xa8: {  	v7 =	vadd.f32 v22, v7;
	v6 =	vadd.f32 v23, v6;
	v22 =	vld [tilespmem:s23+$0xFFFFFFD0]  }
0xa9: {  	v5 =	vadd.f32 v24, v5;
	v4 =	vadd.f32 v25, v4;
	v23 =	vld [tilespmem:s23+$0xFFFFFF40]  }
0xaa: {  	v7 =	vadd.f32 v20, v7;
	v6 =	vadd.f32 v21, v6;
	v24 =	vld [tilespmem:s23+$0xFFFFFF50]  }
0xab: {  	v5 =	vadd.f32 v26, v5;
	v20 =	vld [tilespmem:s23+$0xFFFFFF60];
	v4 =	vadd.f32 v27, v4  }
0xac: {  	s22 =	sadd.s32 $0x4, s22;
	v7 =	vadd.f32 v8, v7;
	v6 =	vadd.f32 v9, v6;
	v21 =	vld [tilespmem:s23+$0xFFFFFF70]  }
0xad: {  	p1 =	slt.u32 s22, $0xC4;
	v5 =	vadd.f32 v10, v5;
	v8 =	vld [tilespmem:s23+$0xFFFFFFE0];
	v4 =	vadd.f32 v19, v4  }
.Ltmp3:
0xae: {  	v7 =	vadd.f32 v18, v7;
	v6 =	vadd.f32 v14, v6;
	v10 =	vld [tilespmem:s23+$0xFFFFFFF0];
	(pc) =	sbr.rel @p1 .LBB2_5-.Ltmp3, $4  }
0xaf: {  	v5 =	vadd.f32 v15, v5;
	v9 =	vld [tilespmem:s23+$0x60];
	v4 =	vadd.f32 v12, v4  }
0xb0: {  	v16 =	vadd.f32 v23, v16;
	v18 =	vadd.f32 v24, v17;
	v12 =	vld [tilespmem:s23+$0x70]  }
0xb1: {  	v15 =	vadd.f32 v20, v11;
	v14 =	vadd.f32 v21, v13;
	v11 =	vld [tilespmem:s23+$0xE0]  }
0xb2: {  	v17 =	vadd.f32 v28, v16;
	v16 =	vadd.f32 v22, v18;
	v13 =	vld [tilespmem:s23+$0xF0];
	s23 =	sadd.s32 $0x200, s23  }
0xb3: {  	_ = 	snop  }
0xb4: {  	v8 =	vadd.f32 v8, v15;
	[tilespmem:s21+$0x12C80] =	vst v7;
	v3 =	vadd.f32 v3, v17  }
0xb5: {  	v59 =	vadd.f32 v10, v14;
	[tilespmem:s21+$0x12C90] =	vst v6;
	v2 =	vadd.f32 v2, v16  }
0xb6: {  	[tilespmem:s21+$0x12CA0] =	vst v5;
	v60 =	vadd.f32 v9, v8;
	v0 =	vadd.f32 v0, v3  }
.Ltmp4:
0xb7: {  	[tilespmem:s21+$0x12CB0] =	vst v4;
	v61 =	vadd.f32 v12, v59;
	v1 =	vadd.f32 v1, v2;
	(pc) =	sbr.rel @p0 .LBB2_8-.Ltmp4, $4  }
0xb8: {  	v62 =	vadd.f32 v11, v60;
	[tilespmem:s21+$0x12CC0] =	vst v0  }
0xb9: {  	v63 =	vadd.f32 v13, v61;
	[tilespmem:s21+$0x12CD0] =	vst v1  }
0xba: {  	[tilespmem:s21+$0x12CE0] =	vst v62  }
0xbb: {  	[tilespmem:s21+$0x12CF0] =	vst v63  }
0xbc: {  	s21 =	smul.u32 $0x640, s20;
	_ =	sdelay $0x1  }
.Ltmp5:
0xbd: {  	s21 =	sshra.s32 s21, $0x2;
	(pc) =	sbr.rel .LBB2_2-.Ltmp5, $4  }
0xbe: {  	s22 =	sadd.s32 $0x258, s21  }
0xbf: {  	[tilespmem:s13], [sflag:$0x2] =	stream.indirect.gather [hbm4b:s2+s8], $0x80, s22, s8, $0xb8;
	[tilespmem:$0x16C00] =	vst v63  }
0xc0: {  	s20 =	sadd.s32 $0x1, s20;
	s21 =	sadd.s32 $0x2C0, s21  }
0xc1: {  	[tilespmem:s15], [sflag:$0x2] =	stream.indirect.gather [hbm4b:s2+s10], $0x80, s21, s10, $0xb8;
	[tilespmem:$0x16C00] =	vst v63  }
.LBB2_9:
0xc2: {  	_ =	sfence.sel $0x180000  }
0xc3: {  	[bflag:$0x0] =	sbarrier.arrive $0xFFFF  }
0xc4: {  	p0 =	sne.s32 s0, $0x0;
	_ =	strace $0x90000047  }
0xc5: {  	s0 =	sadd.s32 @!p0 $0x100000, s1;
	[bflag:$0x2] =	sbarrier.arrive $0xFFFF  }
0xc6: {  	[sflag:s0] =	ssyncadd.tile.s32 @!p0 $0x1;
	_ =	shalt  }
.Lfunc_end2:
_tile_overlayer_lowered:
.L_overlay_start_2:
0xc7: {  	(tag) =	ssettag $0x2  }
0xc8: {  	s0 =	rddreg [dreg:$0x0];
	s2 =	stileid.u32  }
0xc9: {  	s1 =	rddreg [dreg:$0x1];
	p0 =	sne.s32 s2, $0x0  }
0xca: {  	s3 =	rddreg [dreg:$0x2];
	[bflag:$0x3] =	sbarrier.arrive $0xFFFF;
	s2 =	simm.s32 @!p0 $0x1C03  }
0xcb: {  	[timem:s3], [sflag:s2] =	dma.local @!p0 [hbm:s0], s1  }
0xcc: {  	s0 =	simm.s32 @!p0 $0x3  }
0xcd: {  	_ =	swait.ge @!p0 [sflag:s0], s1  }
0xce: {  	s1 =	ssub.s32 @!p0 $0x0, s1;
	[sflag:s0] =	ssyncset.done @!p0 $0x0  }
0xcf: {  	[sflag:s0] =	ssyncadd.s32 @!p0 s1  }
0xd0: {  	[bflag:$0x3] =	sbarrier.arrive $0xFFFF  }
0xd1: {  	_ =	shalt  }

</sc_bundles>
